<compile_context>
chip_gen: v7x
topology: tpu7x:2x2x1
jax: 0.10.2.dev20260603
libtpu: 0.0.44.dev20260713+nightly
codegen_flags: <defaults>
</compile_context>

<pallas_src>
import functools

import jax
import jax.numpy as jnp
from jax import lax
from jax.experimental import pallas as pl
from jax.experimental.pallas import tpu as pltpu
from jax.experimental.pallas import tpu_sc as plsc

THRESHOLD = 0.5
VARIANCES = (0.1, 0.2)
NEGPOS_RATIO = 3.0
P_REAL = 8732
P_OUT = 8736
INF_BITS = 0x7F800001


def _tc_body(conf_ref, loc_ref, tgt_ref, pri_ref, out_ref, bits_ref, stat_ref, *, P, C, T):
    tgt = tgt_ref[0]
    txmin = tgt[:, 0:1]
    tymin = tgt[:, 1:2]
    txmax = tgt[:, 2:3]
    tymax = tgt[:, 3:4]
    tlabel = tgt[:, 4:5]

    pcx = pri_ref[0:1, :]
    pcy = pri_ref[1:2, :]
    pw = pri_ref[2:3, :]
    ph = pri_ref[3:4, :]
    pxmin = pcx - pw / 2.0
    pymin = pcy - ph / 2.0
    pxmax = pcx + pw / 2.0
    pymax = pcy + ph / 2.0

    ix = jnp.clip(jnp.minimum(txmax, pxmax) - jnp.maximum(txmin, pxmin), 0.0, None)
    iy = jnp.clip(jnp.minimum(tymax, pymax) - jnp.maximum(tymin, pymin), 0.0, None)
    inter = ix * iy
    area_t = (txmax - txmin) * (tymax - tymin)
    area_p = (pxmax - pxmin) * (pymax - pymin)
    ov = inter / (area_t + area_p - inter)

    t_iota = jax.lax.broadcasted_iota(jnp.int32, (T, P), 0)
    p_iota = jax.lax.broadcasted_iota(jnp.int32, (T, P), 1)

    btv = jnp.max(ov, axis=0, keepdims=True)
    bti = jnp.min(jnp.where(ov == btv, t_iota, T), axis=0, keepdims=True)
    bpv = jnp.max(ov, axis=1, keepdims=True)
    bpi = jnp.min(jnp.where(ov == bpv, p_iota, P), axis=1, keepdims=True)

    m = bpi == p_iota
    ch_t = jnp.max(jnp.where(m, t_iota, -1), axis=0, keepdims=True)
    forced = ch_t >= 0
    bti = jnp.where(forced, ch_t, bti)
    btv = jnp.where(forced, 2.0, btv)

    oh = (t_iota == bti).astype(jnp.float32)
    matched = jax.lax.dot_general(tgt, oh, (((0,), (0,)), ((), ())),
                                  preferred_element_type=jnp.float32,
                                  precision=jax.lax.Precision.HIGHEST)
    mx0 = matched[0:1, :]
    my0 = matched[1:2, :]
    mx1 = matched[2:3, :]
    my1 = matched[3:4, :]
    mlab = matched[4:5, :]

    cls = jnp.where(btv < THRESHOLD, 0.0, mlab)
    cls_i = cls.astype(jnp.int32)
    pos = cls_i > 0

    gx = ((mx0 + mx1) / 2.0 - pcx) / (VARIANCES[0] * pw)
    gy = ((my0 + my1) / 2.0 - pcy) / (VARIANCES[0] * ph)
    gw = jnp.log((mx1 - mx0) / pw + 1e-8) / VARIANCES[1]
    gh = jnp.log((my1 - my0) / ph + 1e-8) / VARIANCES[1]

    loc = loc_ref[0]
    posf = pos.astype(jnp.float32)

    def sl1(d):
        ad = jnp.abs(d)
        return jnp.where(ad < 1.0, 0.5 * ad * ad, ad - 0.5)

    loss_l_b = jnp.sum((sl1(loc[0:1, :] - gx) + sl1(loc[1:2, :] - gy) +
                        sl1(loc[2:3, :] - gw) + sl1(loc[3:4, :] - gh)) * posf)

    conf = conf_ref[0]
    cmax = jnp.max(conf, axis=0, keepdims=True)
    sexp = jnp.sum(jnp.exp(conf - cmax), axis=0, keepdims=True)
    lse = cmax + jnp.log(sexp)
    c_iota = jax.lax.broadcasted_iota(jnp.int32, (C, P), 0)
    gathered = jnp.sum(jnp.where(c_iota == cls_i, conf, 0.0),
                       axis=0, keepdims=True)
    ce = lse - gathered

    npos_b = jnp.sum(posf)
    spce_b = jnp.sum(ce * posf)

    loss_c = jnp.where(pos, 0.0, ce)
    zpad = jnp.zeros((1, P_OUT - P), jnp.float32)
    row = jnp.concatenate([loss_c, zpad], axis=1)
    out_ref[...] = row.reshape(1, 1, P_OUT)
    bits_ref[...] = jax.lax.bitcast_convert_type(row, jnp.int32).reshape(1, 1, P_OUT)
    lane128 = jax.lax.broadcasted_iota(jnp.int32, (1, 128), 1)
    strow = (jnp.where(lane128 == 0, npos_b, 0.0)
             + jnp.where(lane128 == 1, loss_l_b, 0.0)
             + jnp.where(lane128 == 2, spce_b, 0.0))
    stat_ref[...] = strow.reshape(1, 1, 128)


def _vreduce(v, op):
    lane = lax.iota(jnp.int32, 16)
    dnums = jax.lax.GatherDimensionNumbers(
        offset_dims=(), collapsed_slice_dims=(0,), start_index_map=(0,))
    for sh in (8, 4, 2, 1):
        idx = jnp.bitwise_and(lane + sh, 15)
        perm = jax.lax.gather(v, idx[:, None], dnums, slice_sizes=(1,),
                              mode=jax.lax.GatherScatterMode.PROMISE_IN_BOUNDS)
        v = op(v, perm)
    return v[0]


def _sc_topk_body(lc_hbm, bits_hbm, st_hbm, out_hbm, row_v, bits_v, st_v, out_v):
    nc = 2
    wid = lax.axis_index("s") * nc + lax.axis_index("c")
    pltpu.sync_copy(lc_hbm.at[wid], row_v)
    pltpu.sync_copy(bits_hbm.at[wid], bits_v)
    pltpu.sync_copy(st_hbm.at[wid], st_v)

    lane = lax.iota(jnp.int32, 16)
    st = st_v[pl.ds(0, 16)]
    npos = st[0]
    lossl = st[1]
    spce = st[2]
    k_f = jnp.minimum(NEGPOS_RATIO * npos, float(P_REAL - 1))

    nchunks = P_OUT // 16

    def count_ge(mid):
        def chunk(j, cv):
            vb = bits_v[pl.ds(j * 16, 16)]
            return cv + jnp.where(vb >= mid, 1, 0)
        cv = lax.fori_loop(0, nchunks, chunk, jnp.zeros((16,), jnp.int32),
                           unroll=16)
        return _vreduce(cv, jnp.add)

    def bstep(_, carry):
        lo, hi = carry
        mid = lo + (hi - lo) // 2
        ge = count_ge(mid).astype(jnp.float32) >= k_f
        return jnp.where(ge, mid, lo), jnp.where(ge, hi, mid)

    lo, _ = lax.fori_loop(0, 31, bstep, (jnp.int32(0), jnp.int32(INF_BITS)))

    def tailsum(j, carry):
        sv, cv, mv = carry
        v = row_v[pl.ds(j * 16, 16)]
        gt = bits_v[pl.ds(j * 16, 16)] > lo
        return (sv + jnp.where(gt, v, 0.0), cv + jnp.where(gt, 1, 0),
                jnp.maximum(mv, jnp.where(gt, -1.0, v)))

    sv, cv, mv = lax.fori_loop(0, nchunks, tailsum,
                               (jnp.zeros((16,), jnp.float32),
                                jnp.zeros((16,), jnp.int32),
                                jnp.full((16,), -1.0, jnp.float32)), unroll=8)
    sum_gt = _vreduce(sv, jnp.add)
    cnt_gt = _vreduce(cv, jnp.add).astype(jnp.float32)
    tval = _vreduce(mv, jnp.maximum)
    s_top = sum_gt + jnp.where(k_f > cnt_gt, (k_f - cnt_gt) * tval, 0.0)

    out_v[...] = (jnp.where(lane == 0, s_top, 0.0)
                  + jnp.where(lane == 1, npos, 0.0)
                  + jnp.where(lane == 2, lossl, 0.0)
                  + jnp.where(lane == 3, spce, 0.0))
    pltpu.sync_copy(out_v, out_hbm.at[wid])


def kernel(loc_data, conf_data, targets, priors):
    B, P, C = conf_data.shape
    T = targets.shape[1]
    conf_r = jnp.transpose(conf_data, (0, 2, 1))
    loc_r = jnp.transpose(loc_data, (0, 2, 1))
    pri_r = priors.T
    lc, lc_bits, stats = pl.pallas_call(
        functools.partial(_tc_body, P=P, C=C, T=T),
        grid=(B,),
        in_specs=[
            pl.BlockSpec((1, C, P), lambda b: (b, 0, 0)),
            pl.BlockSpec((1, 4, P), lambda b: (b, 0, 0)),
            pl.BlockSpec((1, T, 5), lambda b: (b, 0, 0)),
            pl.BlockSpec((4, P), lambda b: (0, 0)),
        ],
        out_specs=[
            pl.BlockSpec((1, 1, P_OUT), lambda b: (b, 0, 0)),
            pl.BlockSpec((1, 1, P_OUT), lambda b: (b, 0, 0)),
            pl.BlockSpec((1, 1, 128), lambda b: (b, 0, 0)),
        ],
        out_shape=[
            jax.ShapeDtypeStruct((B, 1, P_OUT), jnp.float32),
            jax.ShapeDtypeStruct((B, 1, P_OUT), jnp.int32),
            jax.ShapeDtypeStruct((B, 1, 128), jnp.float32),
        ],
    )(conf_r, loc_r, targets, pri_r)
    lc = lc.reshape(B, P_OUT)
    lc_bits = lc_bits.reshape(B, P_OUT)
    stats = stats.reshape(B, 128)

    mesh = plsc.VectorSubcoreMesh(core_axis_name="c", subcore_axis_name="s")
    partials = pl.kernel(
        _sc_topk_body,
        mesh=mesh,
        out_type=jax.ShapeDtypeStruct((B, 16), jnp.float32),
        scratch_types=[
            pltpu.VMEM((P_OUT,), jnp.float32),
            pltpu.VMEM((P_OUT,), jnp.int32),
            pltpu.VMEM((128,), jnp.float32),
            pltpu.VMEM((16,), jnp.float32),
        ],
    )(lc, lc_bits, stats)

    s_top = partials[:, 0]
    npos = partials[:, 1]
    lossl = partials[:, 2]
    spce = partials[:, 3]
    n_total = jnp.sum(npos)
    return (jnp.sum(lossl) + jnp.sum(spce) + jnp.sum(s_top)) / n_total

# --- scband reference (transcript-rebuilt; emitter-appended) ---
"""Pipeline reference for scband-multi-box-loss-5042291606172 (READ-ONLY COPY).

The authoritative reference and input builder live on the scoring server;
editing this copy changes nothing except your own understanding.
"""

import jax, jax.numpy as jnp
import numpy as np

B, P, C, T = 32, 8732, 21, 16
THRESHOLD = 0.5
VARIANCES = (0.1, 0.2)
NEGPOS_RATIO = 3.0


def point_form(priors):
    return jnp.concatenate([priors[:, :2] - priors[:, 2:] / 2.0,
                            priors[:, :2] + priors[:, 2:] / 2.0], axis=1)


def intersect(box_a, box_b):
    max_xy = jnp.minimum(box_a[:, None, 2:], box_b[None, :, 2:])
    min_xy = jnp.maximum(box_a[:, None, :2], box_b[None, :, :2])
    inter = jnp.clip(max_xy - min_xy, 0.0, None)
    return inter[..., 0] * inter[..., 1]


def jaccard(box_a, box_b):
    inter = intersect(box_a, box_b)
    area_a = ((box_a[:, 2] - box_a[:, 0]) * (box_a[:, 3] - box_a[:, 1]))[:, None]
    area_b = ((box_b[:, 2] - box_b[:, 0]) * (box_b[:, 3] - box_b[:, 1]))[None, :]
    union = area_a + area_b - inter
    return inter / union


def encode(matched, priors, variances):
    g_cxcy = ((matched[:, :2] + matched[:, 2:]) / 2.0 - priors[:, :2]) / (variances[0] * priors[:, 2:])
    g_wh = jnp.log((matched[:, 2:] - matched[:, :2]) / priors[:, 2:] + 1e-8) / variances[1]
    return jnp.concatenate([g_cxcy, g_wh], axis=1)


def match_one(truths, labels, priors):
    overlaps = jaccard(truths, point_form(priors))  # [T, P]
    best_prior_idx = jnp.argmax(overlaps, axis=1)   # [T]
    best_truth_overlap = jnp.max(overlaps, axis=0)  # [P]
    best_truth_idx = jnp.argmax(overlaps, axis=0)   # [P]
    best_truth_overlap = best_truth_overlap.at[best_prior_idx].set(2.0)
    best_truth_idx = best_truth_idx.at[best_prior_idx].set(jnp.arange(truths.shape[0]))
    matches = truths[best_truth_idx]                # gather [P, 4]
    conf = labels[best_truth_idx].astype(jnp.int32)
    conf = jnp.where(best_truth_overlap < THRESHOLD, jnp.int32(0), conf)
    loc = encode(matches, priors, VARIANCES)
    return loc, conf


def setup_inputs(seed: int = 0) -> dict:
    key = jax.random.key(seed)
    k1, k2, k3, k4, k5, k6 = jax.random.split(key, 6)
    loc_data = jax.random.normal(k1, (B, P, 4), dtype=jnp.float32) * 0.1
    conf_data = jax.random.normal(k2, (B, P, C), dtype=jnp.float32)
    # center-form priors (cx, cy, w, h) in [0, 1]
    cxcy = jax.random.uniform(k3, (P, 2), minval=0.05, maxval=0.95)
    wh = jax.random.uniform(k4, (P, 2), minval=0.05, maxval=0.4)
    priors = jnp.concatenate([cxcy, wh], axis=1).astype(jnp.float32)
    # ground-truth targets: [B, T, 5] = (xmin, ymin, xmax, ymax, label)
    mins = jax.random.uniform(k5, (B, T, 2), minval=0.0, maxval=0.8)
    sizes = jax.random.uniform(jax.random.fold_in(k5, 1), (B, T, 2), minval=0.1, maxval=0.2)
    boxes = jnp.concatenate([mins, jnp.clip(mins + sizes, 0.0, 1.0)], axis=2)
    labels = jax.random.randint(k6, (B, T, 1), 1, C).astype(jnp.float32)
    targets = jnp.concatenate([boxes, labels], axis=2).astype(jnp.float32)
    return {"loc_data": loc_data, "conf_data": conf_data, "targets": targets, "priors": priors}


def reference(loc_data, conf_data, targets, priors):
    num = loc_data.shape[0]
    num_priors = priors.shape[0]
    num_classes = conf_data.shape[-1]
    truths = targets[:, :, :4]
    labels = targets[:, :, 4]
    loc_t, conf_t = jax.vmap(lambda t, l: match_one(t, l, priors))(truths, labels)
    pos = conf_t > 0                                   # [B, P]
    # localization loss: smooth L1 over positive priors
    diff = loc_data - loc_t
    ad = jnp.abs(diff)
    sl1 = jnp.where(ad < 1.0, 0.5 * ad * ad, ad - 0.5)
    loss_l = jnp.sum(sl1 * pos[..., None].astype(sl1.dtype))
    # confidence loss for hard negative mining
    batch_conf = conf_data.reshape(-1, num_classes)
    lse = jax.nn.logsumexp(batch_conf, axis=1)
    gathered = jnp.take_along_axis(batch_conf, conf_t.reshape(-1, 1), axis=1)[:, 0]
    ce_all = (lse - gathered).reshape(num, num_priors)
    loss_c = jnp.where(pos, 0.0, ce_all)
    loss_idx = jnp.argsort(-loss_c, axis=1)            # sort descending
    idx_rank = jnp.argsort(loss_idx, axis=1)           # rank of each prior
    num_pos = jnp.sum(pos.astype(jnp.int32), axis=1, keepdims=True)
    num_neg = jnp.clip(NEGPOS_RATIO * num_pos.astype(jnp.float32), None, float(num_priors - 1))
    neg = idx_rank.astype(jnp.float32) < num_neg       # [B, P]
    mask = pos | neg
    loss_conf = jnp.sum(jnp.where(mask, ce_all, 0.0))
    N = jnp.sum(num_pos).astype(jnp.float32)
    return loss_l / N + loss_conf / N

if __name__ == "__main__":
    import jax
    _d = setup_inputs()
    print(jax.jit(kernel)(*tuple(_d.values())))

</pallas_src>

<mosaic_0001>
#map = affine_map<(d0, d1) -> (0, 0)>
module attributes {stable_mosaic.version = 14 : i64} {
  func.func @_sc_topk_body(%arg0: i32, %arg1: i32, %arg2: memref<32x8736xf32, #tpu.memory_space<hbm>>, %arg3: memref<32x8736xi32, #tpu.memory_space<hbm>>, %arg4: memref<32x128xf32, #tpu.memory_space<hbm>>, %arg5: memref<32x16xf32, #tpu.memory_space<hbm>>, %arg6: memref<8736xf32, #tpu.memory_space<vmem>>, %arg7: memref<8736xi32, #tpu.memory_space<vmem>>, %arg8: memref<128xf32, #tpu.memory_space<vmem>>, %arg9: memref<16xf32, #tpu.memory_space<vmem>>) attributes {dimension_semantics = [#tpu.dimension_semantics<core_parallel>, #tpu.dimension_semantics<subcore_parallel>], iteration_bounds = array<i64: 2, 16>, scalar_prefetch = 0 : i64, scratch_operands = 4 : i64, tpu.core_type = #tpu.core_type<sc_vector_subcore>, window_params = [{transform_indices = #map}, {transform_indices = #map}, {transform_indices = #map}, {transform_indices = #map}]} {
    %mul3A = arith.constant 2 : i32
    %mul3A_0 = arith.muli %arg1, %mul3A : i32
    %add3A = arith.addi %mul3A_0, %arg0 : i32
    "tpu.region"() ({
      %run_scoped3A = tpu.sem_alloc : memref<!tpu.dma_semaphore, #tpu.memory_space<semaphore_mem>>
      %dma_start3A = arith.constant 0 : i32
      %dma_start3A_245 = tpu.memref_slice %arg2[%add3A, %dma_start3A] : memref<32x8736xf32, #tpu.memory_space<hbm>> -> memref<1x8736xf32, #tpu.memory_space<hbm>>
      %dma_start3A_246 = tpu.memref_squeeze %dma_start3A_245 : memref<1x8736xf32, #tpu.memory_space<hbm>> -> memref<8736xf32, #tpu.memory_space<hbm>>
      %dma_start3A_247 = arith.constant 0 : i32
      %dma_start3A_248 = tpu.memref_slice %arg2[%add3A, %dma_start3A_247] : memref<32x8736xf32, #tpu.memory_space<hbm>> -> memref<1x8736xf32, #tpu.memory_space<hbm>>
      %dma_start3A_249 = tpu.memref_squeeze %dma_start3A_248 : memref<1x8736xf32, #tpu.memory_space<hbm>> -> memref<8736xf32, #tpu.memory_space<hbm>>
      tpu.enqueue_dma source(%dma_start3A_249 : memref<8736xf32, #tpu.memory_space<hbm>>) target(%arg6 : memref<8736xf32, #tpu.memory_space<vmem>>) target_semaphore(%run_scoped3A : memref<!tpu.dma_semaphore, #tpu.memory_space<semaphore_mem>>)
      %dma_wait3A = arith.constant 0 : i32
      %dma_wait3A_250 = tpu.memref_slice %arg2[%add3A, %dma_wait3A] : memref<32x8736xf32, #tpu.memory_space<hbm>> -> memref<1x8736xf32, #tpu.memory_space<hbm>>
      %dma_wait3A_251 = tpu.memref_squeeze %dma_wait3A_250 : memref<1x8736xf32, #tpu.memory_space<hbm>> -> memref<8736xf32, #tpu.memory_space<hbm>>
      %dma_wait3A_252 = arith.constant 0 : i32
      %dma_wait3A_253 = tpu.memref_slice %arg2[%add3A, %dma_wait3A_252] : memref<32x8736xf32, #tpu.memory_space<hbm>> -> memref<1x8736xf32, #tpu.memory_space<hbm>>
      %dma_wait3A_254 = tpu.memref_squeeze %dma_wait3A_253 : memref<1x8736xf32, #tpu.memory_space<hbm>> -> memref<8736xf32, #tpu.memory_space<hbm>>
      tpu.wait_dma2 semaphore(%run_scoped3A : memref<!tpu.dma_semaphore, #tpu.memory_space<semaphore_mem>>) src(%dma_wait3A_254 : memref<8736xf32, #tpu.memory_space<hbm>>) dst(%arg6 : memref<8736xf32, #tpu.memory_space<vmem>>)
      tpu.yield
    }) : () -> ()
    "tpu.region"() ({
      %run_scoped3A = tpu.sem_alloc : memref<!tpu.dma_semaphore, #tpu.memory_space<semaphore_mem>>
      %dma_start3A = arith.constant 0 : i32
      %dma_start3A_245 = tpu.memref_slice %arg3[%add3A, %dma_start3A] : memref<32x8736xi32, #tpu.memory_space<hbm>> -> memref<1x8736xi32, #tpu.memory_space<hbm>>
      %dma_start3A_246 = tpu.memref_squeeze %dma_start3A_245 : memref<1x8736xi32, #tpu.memory_space<hbm>> -> memref<8736xi32, #tpu.memory_space<hbm>>
      %dma_start3A_247 = arith.constant 0 : i32
      %dma_start3A_248 = tpu.memref_slice %arg3[%add3A, %dma_start3A_247] : memref<32x8736xi32, #tpu.memory_space<hbm>> -> memref<1x8736xi32, #tpu.memory_space<hbm>>
      %dma_start3A_249 = tpu.memref_squeeze %dma_start3A_248 : memref<1x8736xi32, #tpu.memory_space<hbm>> -> memref<8736xi32, #tpu.memory_space<hbm>>
      tpu.enqueue_dma source(%dma_start3A_249 : memref<8736xi32, #tpu.memory_space<hbm>>) target(%arg7 : memref<8736xi32, #tpu.memory_space<vmem>>) target_semaphore(%run_scoped3A : memref<!tpu.dma_semaphore, #tpu.memory_space<semaphore_mem>>)
      %dma_wait3A = arith.constant 0 : i32
      %dma_wait3A_250 = tpu.memref_slice %arg3[%add3A, %dma_wait3A] : memref<32x8736xi32, #tpu.memory_space<hbm>> -> memref<1x8736xi32, #tpu.memory_space<hbm>>
      %dma_wait3A_251 = tpu.memref_squeeze %dma_wait3A_250 : memref<1x8736xi32, #tpu.memory_space<hbm>> -> memref<8736xi32, #tpu.memory_space<hbm>>
      %dma_wait3A_252 = arith.constant 0 : i32
      %dma_wait3A_253 = tpu.memref_slice %arg3[%add3A, %dma_wait3A_252] : memref<32x8736xi32, #tpu.memory_space<hbm>> -> memref<1x8736xi32, #tpu.memory_space<hbm>>
      %dma_wait3A_254 = tpu.memref_squeeze %dma_wait3A_253 : memref<1x8736xi32, #tpu.memory_space<hbm>> -> memref<8736xi32, #tpu.memory_space<hbm>>
      tpu.wait_dma2 semaphore(%run_scoped3A : memref<!tpu.dma_semaphore, #tpu.memory_space<semaphore_mem>>) src(%dma_wait3A_254 : memref<8736xi32, #tpu.memory_space<hbm>>) dst(%arg7 : memref<8736xi32, #tpu.memory_space<vmem>>)
      tpu.yield
    }) : () -> ()
    "tpu.region"() ({
      %run_scoped3A = tpu.sem_alloc : memref<!tpu.dma_semaphore, #tpu.memory_space<semaphore_mem>>
      %dma_start3A = arith.constant 0 : i32
      %dma_start3A_245 = tpu.memref_slice %arg4[%add3A, %dma_start3A] : memref<32x128xf32, #tpu.memory_space<hbm>> -> memref<1x128xf32, #tpu.memory_space<hbm>>
      %dma_start3A_246 = tpu.memref_squeeze %dma_start3A_245 : memref<1x128xf32, #tpu.memory_space<hbm>> -> memref<128xf32, #tpu.memory_space<hbm>>
      %dma_start3A_247 = arith.constant 0 : i32
      %dma_start3A_248 = tpu.memref_slice %arg4[%add3A, %dma_start3A_247] : memref<32x128xf32, #tpu.memory_space<hbm>> -> memref<1x128xf32, #tpu.memory_space<hbm>>
      %dma_start3A_249 = tpu.memref_squeeze %dma_start3A_248 : memref<1x128xf32, #tpu.memory_space<hbm>> -> memref<128xf32, #tpu.memory_space<hbm>>
      tpu.enqueue_dma source(%dma_start3A_249 : memref<128xf32, #tpu.memory_space<hbm>>) target(%arg8 : memref<128xf32, #tpu.memory_space<vmem>>) target_semaphore(%run_scoped3A : memref<!tpu.dma_semaphore, #tpu.memory_space<semaphore_mem>>)
      %dma_wait3A = arith.constant 0 : i32
      %dma_wait3A_250 = tpu.memref_slice %arg4[%add3A, %dma_wait3A] : memref<32x128xf32, #tpu.memory_space<hbm>> -> memref<1x128xf32, #tpu.memory_space<hbm>>
      %dma_wait3A_251 = tpu.memref_squeeze %dma_wait3A_250 : memref<1x128xf32, #tpu.memory_space<hbm>> -> memref<128xf32, #tpu.memory_space<hbm>>
      %dma_wait3A_252 = arith.constant 0 : i32
      %dma_wait3A_253 = tpu.memref_slice %arg4[%add3A, %dma_wait3A_252] : memref<32x128xf32, #tpu.memory_space<hbm>> -> memref<1x128xf32, #tpu.memory_space<hbm>>
      %dma_wait3A_254 = tpu.memref_squeeze %dma_wait3A_253 : memref<1x128xf32, #tpu.memory_space<hbm>> -> memref<128xf32, #tpu.memory_space<hbm>>
      tpu.wait_dma2 semaphore(%run_scoped3A : memref<!tpu.dma_semaphore, #tpu.memory_space<semaphore_mem>>) src(%dma_wait3A_254 : memref<128xf32, #tpu.memory_space<hbm>>) dst(%arg8 : memref<128xf32, #tpu.memory_space<vmem>>)
      tpu.yield
    }) : () -> ()
    %iota3A = tpu.iota {dimensions = array<i32: 0>} : vector<16xi32>
    %get3A = arith.constant 0 : index
    %get3A_1 = tpu.vector_load %arg8[%get3A] {strides = array<i32>} : memref<128xf32, #tpu.memory_space<vmem>>, vector<16xf32>,
    %get3A_2 = vector.shape_cast %get3A_1 : vector<16xf32> to vector<16xf32>
    %slice3A = vector.extract_strided_slice %get3A_2 {offsets = [0], sizes = [1], strides = [1]} : vector<16xf32> to vector<1xf32>
    %squeeze3A = vector.extract %slice3A[0] : f32 from vector<1xf32>
    %slice3A_3 = vector.extract_strided_slice %get3A_2 {offsets = [1], sizes = [1], strides = [1]} : vector<16xf32> to vector<1xf32>
    %squeeze3A_4 = vector.extract %slice3A_3[0] : f32 from vector<1xf32>
    %slice3A_5 = vector.extract_strided_slice %get3A_2 {offsets = [2], sizes = [1], strides = [1]} : vector<16xf32> to vector<1xf32>
    %squeeze3A_6 = vector.extract %slice3A_5[0] : f32 from vector<1xf32>
    %mul3A_7 = arith.constant 3.000000e+00 : f32
    %mul3A_8 = arith.mulf %mul3A_7, %squeeze3A : f32
    %min3A = arith.constant 8.731000e+03 : f32
    %min3A_9 = arith.minimumf %mul3A_8, %min3A : f32
    %scan3A = arith.constant 0 : i32
    %scan3A_10 = arith.constant 2139095041 : i32
    %scan3A_11 = arith.constant 0 : i32
    %scan3A_12 = arith.constant 31 : i32
    %scan3A_13 = arith.addi %scan3A_11, %scan3A_12 : i32
    %scan3A_14 = arith.constant 1 : i32
    %scan3A_15:2 = scf.for %scan3A_245 = %scan3A_11 to %scan3A_13 step %scan3A_14 iter_args(%scan3A_246 = %scan3A, %scan3A_247 = %scan3A_10) -> (i32, i32)  : i32 {
      %sub3A_248 = arith.subi %scan3A_247, %scan3A_246 : i32
      %jit3A_249 = arith.constant 2 : i32
      %div3A = arith.divsi %sub3A_248, %jit3A_249 : i32
      %sign3A = arith.constant 0 : i32
      %sign3A_250 = arith.cmpi sgt, %sub3A_248, %sign3A : i32
      %sign3A_251 = arith.extui %sign3A_250 : i1 to i32
      %sign3A_252 = arith.constant 0 : i32
      %sign3A_253 = arith.cmpi slt, %sub3A_248, %sign3A_252 : i32
      %sign3A_254 = arith.extui %sign3A_253 : i1 to i32
      %sign3A_255 = arith.subi %sign3A_251, %sign3A_254 : i32
      %sign3A_256 = arith.constant 0 : i32
      %sign3A_257 = arith.cmpi sgt, %jit3A_249, %sign3A_256 : i32
      %sign3A_258 = arith.extui %sign3A_257 : i1 to i32
      %sign3A_259 = arith.constant 0 : i32
      %sign3A_260 = arith.cmpi slt, %jit3A_249, %sign3A_259 : i32
      %sign3A_261 = arith.extui %sign3A_260 : i1 to i32
      %sign3A_262 = arith.subi %sign3A_258, %sign3A_261 : i32
      %ne3A = arith.cmpi ne, %sign3A_255, %sign3A_262 : i32
      %rem3A = arith.remsi %sub3A_248, %jit3A_249 : i32
      %ne3A_263 = arith.constant 0 : i32
      %ne3A_264 = arith.cmpi ne, %rem3A, %ne3A_263 : i32
      %and3A_265 = arith.andi %ne3A, %ne3A_264 : i1
      %sub3A_266 = arith.constant 1 : i32
      %sub3A_267 = arith.subi %div3A, %sub3A_266 : i32
      %select_n3A_268 = arith.select %and3A_265, %sub3A_267, %div3A : i32
      %add3A_269 = arith.addi %scan3A_246, %select_n3A_268 : i32
      %broadcast_in_dim3A_270 = arith.constant 0 : i32
      %broadcast_in_dim3A_271 = vector.broadcast %broadcast_in_dim3A_270 : i32 to vector<16xi32>
      %scan3A_272 = arith.constant 0 : i32
      %scan3A_273 = arith.constant 544 : i32
      %scan3A_274 = arith.addi %scan3A_272, %scan3A_273 : i32
      %scan3A_275 = arith.constant 16 : i32
      %scan3A_276 = scf.for %scan3A_354 = %scan3A_272 to %scan3A_274 step %scan3A_275 iter_args(%scan3A_355 = %broadcast_in_dim3A_271) -> (vector<16xi32>)  : i32 {
        %mul3A_356 = arith.constant 16 : i32
        %mul3A_357 = arith.muli %scan3A_354, %mul3A_356 : i32
        %get3A_358 = arith.index_cast %mul3A_357 : i32 to index
        %get3A_359 = tpu.vector_load %arg7[%get3A_358] {strides = array<i32>} : memref<8736xi32, #tpu.memory_space<vmem>>, vector<16xi32>,
        %get3A_360 = vector.shape_cast %get3A_359 : vector<16xi32> to vector<16xi32>
        %ge3A_361 = vector.broadcast %add3A_269 : i32 to vector<16xi32>
        %ge3A_362 = arith.cmpi sge, %get3A_360, %ge3A_361 : vector<16xi32>
        %jit3A_363 = arith.constant 1 : i32
        %jit3A_364 = arith.constant 0 : i32
        %broadcast_in_dim3A_365 = vector.broadcast %jit3A_363 : i32 to vector<16xi32>
        %broadcast_in_dim3A_366 = vector.broadcast %jit3A_364 : i32 to vector<16xi32>
        %select_n3A_367 = arith.select %ge3A_362, %broadcast_in_dim3A_365, %broadcast_in_dim3A_366 : vector<16xi1>, vector<16xi32>
        %add3A_368 = arith.addi %scan3A_355, %select_n3A_367 : vector<16xi32>
        %scan3A_369 = arith.constant 1 : i32
        %scan3A_370 = arith.addi %scan3A_354, %scan3A_369 : i32
        %mul3A_371 = arith.constant 16 : i32
        %mul3A_372 = arith.muli %scan3A_370, %mul3A_371 : i32
        %get3A_373 = arith.index_cast %mul3A_372 : i32 to index
        %get3A_374 = tpu.vector_load %arg7[%get3A_373] {strides = array<i32>} : memref<8736xi32, #tpu.memory_space<vmem>>, vector<16xi32>,
        %get3A_375 = vector.shape_cast %get3A_374 : vector<16xi32> to vector<16xi32>
        %ge3A_376 = vector.broadcast %add3A_269 : i32 to vector<16xi32>
        %ge3A_377 = arith.cmpi sge, %get3A_375, %ge3A_376 : vector<16xi32>
        %jit3A_378 = arith.constant 1 : i32
        %jit3A_379 = arith.constant 0 : i32
        %broadcast_in_dim3A_380 = vector.broadcast %jit3A_378 : i32 to vector<16xi32>
        %broadcast_in_dim3A_381 = vector.broadcast %jit3A_379 : i32 to vector<16xi32>
        %select_n3A_382 = arith.select %ge3A_377, %broadcast_in_dim3A_380, %broadcast_in_dim3A_381 : vector<16xi1>, vector<16xi32>
        %add3A_383 = arith.addi %add3A_368, %select_n3A_382 : vector<16xi32>
        %scan3A_384 = arith.constant 2 : i32
        %scan3A_385 = arith.addi %scan3A_354, %scan3A_384 : i32
        %mul3A_386 = arith.constant 16 : i32
        %mul3A_387 = arith.muli %scan3A_385, %mul3A_386 : i32
        %get3A_388 = arith.index_cast %mul3A_387 : i32 to index
        %get3A_389 = tpu.vector_load %arg7[%get3A_388] {strides = array<i32>} : memref<8736xi32, #tpu.memory_space<vmem>>, vector<16xi32>,
        %get3A_390 = vector.shape_cast %get3A_389 : vector<16xi32> to vector<16xi32>
        %ge3A_391 = vector.broadcast %add3A_269 : i32 to vector<16xi32>
        %ge3A_392 = arith.cmpi sge, %get3A_390, %ge3A_391 : vector<16xi32>
        %jit3A_393 = arith.constant 1 : i32
        %jit3A_394 = arith.constant 0 : i32
        %broadcast_in_dim3A_395 = vector.broadcast %jit3A_393 : i32 to vector<16xi32>
        %broadcast_in_dim3A_396 = vector.broadcast %jit3A_394 : i32 to vector<16xi32>
        %select_n3A_397 = arith.select %ge3A_392, %broadcast_in_dim3A_395, %broadcast_in_dim3A_396 : vector<16xi1>, vector<16xi32>
        %add3A_398 = arith.addi %add3A_383, %select_n3A_397 : vector<16xi32>
        %scan3A_399 = arith.constant 3 : i32
        %scan3A_400 = arith.addi %scan3A_354, %scan3A_399 : i32
        %mul3A_401 = arith.constant 16 : i32
        %mul3A_402 = arith.muli %scan3A_400, %mul3A_401 : i32
        %get3A_403 = arith.index_cast %mul3A_402 : i32 to index
        %get3A_404 = tpu.vector_load %arg7[%get3A_403] {strides = array<i32>} : memref<8736xi32, #tpu.memory_space<vmem>>, vector<16xi32>,
        %get3A_405 = vector.shape_cast %get3A_404 : vector<16xi32> to vector<16xi32>
        %ge3A_406 = vector.broadcast %add3A_269 : i32 to vector<16xi32>
        %ge3A_407 = arith.cmpi sge, %get3A_405, %ge3A_406 : vector<16xi32>
        %jit3A_408 = arith.constant 1 : i32
        %jit3A_409 = arith.constant 0 : i32
        %broadcast_in_dim3A_410 = vector.broadcast %jit3A_408 : i32 to vector<16xi32>
        %broadcast_in_dim3A_411 = vector.broadcast %jit3A_409 : i32 to vector<16xi32>
        %select_n3A_412 = arith.select %ge3A_407, %broadcast_in_dim3A_410, %broadcast_in_dim3A_411 : vector<16xi1>, vector<16xi32>
        %add3A_413 = arith.addi %add3A_398, %select_n3A_412 : vector<16xi32>
        %scan3A_414 = arith.constant 4 : i32
        %scan3A_415 = arith.addi %scan3A_354, %scan3A_414 : i32
        %mul3A_416 = arith.constant 16 : i32
        %mul3A_417 = arith.muli %scan3A_415, %mul3A_416 : i32
        %get3A_418 = arith.index_cast %mul3A_417 : i32 to index
        %get3A_419 = tpu.vector_load %arg7[%get3A_418] {strides = array<i32>} : memref<8736xi32, #tpu.memory_space<vmem>>, vector<16xi32>,
        %get3A_420 = vector.shape_cast %get3A_419 : vector<16xi32> to vector<16xi32>
        %ge3A_421 = vector.broadcast %add3A_269 : i32 to vector<16xi32>
        %ge3A_422 = arith.cmpi sge, %get3A_420, %ge3A_421 : vector<16xi32>
        %jit3A_423 = arith.constant 1 : i32
        %jit3A_424 = arith.constant 0 : i32
        %broadcast_in_dim3A_425 = vector.broadcast %jit3A_423 : i32 to vector<16xi32>
        %broadcast_in_dim3A_426 = vector.broadcast %jit3A_424 : i32 to vector<16xi32>
        %select_n3A_427 = arith.select %ge3A_422, %broadcast_in_dim3A_425, %broadcast_in_dim3A_426 : vector<16xi1>, vector<16xi32>
        %add3A_428 = arith.addi %add3A_413, %select_n3A_427 : vector<16xi32>
        %scan3A_429 = arith.constant 5 : i32
        %scan3A_430 = arith.addi %scan3A_354, %scan3A_429 : i32
        %mul3A_431 = arith.constant 16 : i32
        %mul3A_432 = arith.muli %scan3A_430, %mul3A_431 : i32
        %get3A_433 = arith.index_cast %mul3A_432 : i32 to index
        %get3A_434 = tpu.vector_load %arg7[%get3A_433] {strides = array<i32>} : memref<8736xi32, #tpu.memory_space<vmem>>, vector<16xi32>,
        %get3A_435 = vector.shape_cast %get3A_434 : vector<16xi32> to vector<16xi32>
        %ge3A_436 = vector.broadcast %add3A_269 : i32 to vector<16xi32>
        %ge3A_437 = arith.cmpi sge, %get3A_435, %ge3A_436 : vector<16xi32>
        %jit3A_438 = arith.constant 1 : i32
        %jit3A_439 = arith.constant 0 : i32
        %broadcast_in_dim3A_440 = vector.broadcast %jit3A_438 : i32 to vector<16xi32>
        %broadcast_in_dim3A_441 = vector.broadcast %jit3A_439 : i32 to vector<16xi32>
        %select_n3A_442 = arith.select %ge3A_437, %broadcast_in_dim3A_440, %broadcast_in_dim3A_441 : vector<16xi1>, vector<16xi32>
        %add3A_443 = arith.addi %add3A_428, %select_n3A_442 : vector<16xi32>
        %scan3A_444 = arith.constant 6 : i32
        %scan3A_445 = arith.addi %scan3A_354, %scan3A_444 : i32
        %mul3A_446 = arith.constant 16 : i32
        %mul3A_447 = arith.muli %scan3A_445, %mul3A_446 : i32
        %get3A_448 = arith.index_cast %mul3A_447 : i32 to index
        %get3A_449 = tpu.vector_load %arg7[%get3A_448] {strides = array<i32>} : memref<8736xi32, #tpu.memory_space<vmem>>, vector<16xi32>,
        %get3A_450 = vector.shape_cast %get3A_449 : vector<16xi32> to vector<16xi32>
        %ge3A_451 = vector.broadcast %add3A_269 : i32 to vector<16xi32>
        %ge3A_452 = arith.cmpi sge, %get3A_450, %ge3A_451 : vector<16xi32>
        %jit3A_453 = arith.constant 1 : i32
        %jit3A_454 = arith.constant 0 : i32
        %broadcast_in_dim3A_455 = vector.broadcast %jit3A_453 : i32 to vector<16xi32>
        %broadcast_in_dim3A_456 = vector.broadcast %jit3A_454 : i32 to vector<16xi32>
        %select_n3A_457 = arith.select %ge3A_452, %broadcast_in_dim3A_455, %broadcast_in_dim3A_456 : vector<16xi1>, vector<16xi32>
        %add3A_458 = arith.addi %add3A_443, %select_n3A_457 : vector<16xi32>
        %scan3A_459 = arith.constant 7 : i32
        %scan3A_460 = arith.addi %scan3A_354, %scan3A_459 : i32
        %mul3A_461 = arith.constant 16 : i32
        %mul3A_462 = arith.muli %scan3A_460, %mul3A_461 : i32
        %get3A_463 = arith.index_cast %mul3A_462 : i32 to index
        %get3A_464 = tpu.vector_load %arg7[%get3A_463] {strides = array<i32>} : memref<8736xi32, #tpu.memory_space<vmem>>, vector<16xi32>,
        %get3A_465 = vector.shape_cast %get3A_464 : vector<16xi32> to vector<16xi32>
        %ge3A_466 = vector.broadcast %add3A_269 : i32 to vector<16xi32>
        %ge3A_467 = arith.cmpi sge, %get3A_465, %ge3A_466 : vector<16xi32>
        %jit3A_468 = arith.constant 1 : i32
        %jit3A_469 = arith.constant 0 : i32
        %broadcast_in_dim3A_470 = vector.broadcast %jit3A_468 : i32 to vector<16xi32>
        %broadcast_in_dim3A_471 = vector.broadcast %jit3A_469 : i32 to vector<16xi32>
        %select_n3A_472 = arith.select %ge3A_467, %broadcast_in_dim3A_470, %broadcast_in_dim3A_471 : vector<16xi1>, vector<16xi32>
        %add3A_473 = arith.addi %add3A_458, %select_n3A_472 : vector<16xi32>
        %scan3A_474 = arith.constant 8 : i32
        %scan3A_475 = arith.addi %scan3A_354, %scan3A_474 : i32
        %mul3A_476 = arith.constant 16 : i32
        %mul3A_477 = arith.muli %scan3A_475, %mul3A_476 : i32
        %get3A_478 = arith.index_cast %mul3A_477 : i32 to index
        %get3A_479 = tpu.vector_load %arg7[%get3A_478] {strides = array<i32>} : memref<8736xi32, #tpu.memory_space<vmem>>, vector<16xi32>,
        %get3A_480 = vector.shape_cast %get3A_479 : vector<16xi32> to vector<16xi32>
        %ge3A_481 = vector.broadcast %add3A_269 : i32 to vector<16xi32>
        %ge3A_482 = arith.cmpi sge, %get3A_480, %ge3A_481 : vector<16xi32>
        %jit3A_483 = arith.constant 1 : i32
        %jit3A_484 = arith.constant 0 : i32
        %broadcast_in_dim3A_485 = vector.broadcast %jit3A_483 : i32 to vector<16xi32>
        %broadcast_in_dim3A_486 = vector.broadcast %jit3A_484 : i32 to vector<16xi32>
        %select_n3A_487 = arith.select %ge3A_482, %broadcast_in_dim3A_485, %broadcast_in_dim3A_486 : vector<16xi1>, vector<16xi32>
        %add3A_488 = arith.addi %add3A_473, %select_n3A_487 : vector<16xi32>
        %scan3A_489 = arith.constant 9 : i32
        %scan3A_490 = arith.addi %scan3A_354, %scan3A_489 : i32
        %mul3A_491 = arith.constant 16 : i32
        %mul3A_492 = arith.muli %scan3A_490, %mul3A_491 : i32
        %get3A_493 = arith.index_cast %mul3A_492 : i32 to index
        %get3A_494 = tpu.vector_load %arg7[%get3A_493] {strides = array<i32>} : memref<8736xi32, #tpu.memory_space<vmem>>, vector<16xi32>,
        %get3A_495 = vector.shape_cast %get3A_494 : vector<16xi32> to vector<16xi32>
        %ge3A_496 = vector.broadcast %add3A_269 : i32 to vector<16xi32>
        %ge3A_497 = arith.cmpi sge, %get3A_495, %ge3A_496 : vector<16xi32>
        %jit3A_498 = arith.constant 1 : i32
        %jit3A_499 = arith.constant 0 : i32
        %broadcast_in_dim3A_500 = vector.broadcast %jit3A_498 : i32 to vector<16xi32>
        %broadcast_in_dim3A_501 = vector.broadcast %jit3A_499 : i32 to vector<16xi32>
        %select_n3A_502 = arith.select %ge3A_497, %broadcast_in_dim3A_500, %broadcast_in_dim3A_501 : vector<16xi1>, vector<16xi32>
        %add3A_503 = arith.addi %add3A_488, %select_n3A_502 : vector<16xi32>
        %scan3A_504 = arith.constant 10 : i32
        %scan3A_505 = arith.addi %scan3A_354, %scan3A_504 : i32
        %mul3A_506 = arith.constant 16 : i32
        %mul3A_507 = arith.muli %scan3A_505, %mul3A_506 : i32
        %get3A_508 = arith.index_cast %mul3A_507 : i32 to index
        %get3A_509 = tpu.vector_load %arg7[%get3A_508] {strides = array<i32>} : memref<8736xi32, #tpu.memory_space<vmem>>, vector<16xi32>,
        %get3A_510 = vector.shape_cast %get3A_509 : vector<16xi32> to vector<16xi32>
        %ge3A_511 = vector.broadcast %add3A_269 : i32 to vector<16xi32>
        %ge3A_512 = arith.cmpi sge, %get3A_510, %ge3A_511 : vector<16xi32>
        %jit3A_513 = arith.constant 1 : i32
        %jit3A_514 = arith.constant 0 : i32
        %broadcast_in_dim3A_515 = vector.broadcast %jit3A_513 : i32 to vector<16xi32>
        %broadcast_in_dim3A_516 = vector.broadcast %jit3A_514 : i32 to vector<16xi32>
        %select_n3A_517 = arith.select %ge3A_512, %broadcast_in_dim3A_515, %broadcast_in_dim3A_516 : vector<16xi1>, vector<16xi32>
        %add3A_518 = arith.addi %add3A_503, %select_n3A_517 : vector<16xi32>
        %scan3A_519 = arith.constant 11 : i32
        %scan3A_520 = arith.addi %scan3A_354, %scan3A_519 : i32
        %mul3A_521 = arith.constant 16 : i32
        %mul3A_522 = arith.muli %scan3A_520, %mul3A_521 : i32
        %get3A_523 = arith.index_cast %mul3A_522 : i32 to index
        %get3A_524 = tpu.vector_load %arg7[%get3A_523] {strides = array<i32>} : memref<8736xi32, #tpu.memory_space<vmem>>, vector<16xi32>,
        %get3A_525 = vector.shape_cast %get3A_524 : vector<16xi32> to vector<16xi32>
        %ge3A_526 = vector.broadcast %add3A_269 : i32 to vector<16xi32>
        %ge3A_527 = arith.cmpi sge, %get3A_525, %ge3A_526 : vector<16xi32>
        %jit3A_528 = arith.constant 1 : i32
        %jit3A_529 = arith.constant 0 : i32
        %broadcast_in_dim3A_530 = vector.broadcast %jit3A_528 : i32 to vector<16xi32>
        %broadcast_in_dim3A_531 = vector.broadcast %jit3A_529 : i32 to vector<16xi32>
        %select_n3A_532 = arith.select %ge3A_527, %broadcast_in_dim3A_530, %broadcast_in_dim3A_531 : vector<16xi1>, vector<16xi32>
        %add3A_533 = arith.addi %add3A_518, %select_n3A_532 : vector<16xi32>
        %scan3A_534 = arith.constant 12 : i32
        %scan3A_535 = arith.addi %scan3A_354, %scan3A_534 : i32
        %mul3A_536 = arith.constant 16 : i32
        %mul3A_537 = arith.muli %scan3A_535, %mul3A_536 : i32
        %get3A_538 = arith.index_cast %mul3A_537 : i32 to index
        %get3A_539 = tpu.vector_load %arg7[%get3A_538] {strides = array<i32>} : memref<8736xi32, #tpu.memory_space<vmem>>, vector<16xi32>,
        %get3A_540 = vector.shape_cast %get3A_539 : vector<16xi32> to vector<16xi32>
        %ge3A_541 = vector.broadcast %add3A_269 : i32 to vector<16xi32>
        %ge3A_542 = arith.cmpi sge, %get3A_540, %ge3A_541 : vector<16xi32>
        %jit3A_543 = arith.constant 1 : i32
        %jit3A_544 = arith.constant 0 : i32
        %broadcast_in_dim3A_545 = vector.broadcast %jit3A_543 : i32 to vector<16xi32>
        %broadcast_in_dim3A_546 = vector.broadcast %jit3A_544 : i32 to vector<16xi32>
        %select_n3A_547 = arith.select %ge3A_542, %broadcast_in_dim3A_545, %broadcast_in_dim3A_546 : vector<16xi1>, vector<16xi32>
        %add3A_548 = arith.addi %add3A_533, %select_n3A_547 : vector<16xi32>
        %scan3A_549 = arith.constant 13 : i32
        %scan3A_550 = arith.addi %scan3A_354, %scan3A_549 : i32
        %mul3A_551 = arith.constant 16 : i32
        %mul3A_552 = arith.muli %scan3A_550, %mul3A_551 : i32
        %get3A_553 = arith.index_cast %mul3A_552 : i32 to index
        %get3A_554 = tpu.vector_load %arg7[%get3A_553] {strides = array<i32>} : memref<8736xi32, #tpu.memory_space<vmem>>, vector<16xi32>,
        %get3A_555 = vector.shape_cast %get3A_554 : vector<16xi32> to vector<16xi32>
        %ge3A_556 = vector.broadcast %add3A_269 : i32 to vector<16xi32>
        %ge3A_557 = arith.cmpi sge, %get3A_555, %ge3A_556 : vector<16xi32>
        %jit3A_558 = arith.constant 1 : i32
        %jit3A_559 = arith.constant 0 : i32
        %broadcast_in_dim3A_560 = vector.broadcast %jit3A_558 : i32 to vector<16xi32>
        %broadcast_in_dim3A_561 = vector.broadcast %jit3A_559 : i32 to vector<16xi32>
        %select_n3A_562 = arith.select %ge3A_557, %broadcast_in_dim3A_560, %broadcast_in_dim3A_561 : vector<16xi1>, vector<16xi32>
        %add3A_563 = arith.addi %add3A_548, %select_n3A_562 : vector<16xi32>
        %scan3A_564 = arith.constant 14 : i32
        %scan3A_565 = arith.addi %scan3A_354, %scan3A_564 : i32
        %mul3A_566 = arith.constant 16 : i32
        %mul3A_567 = arith.muli %scan3A_565, %mul3A_566 : i32
        %get3A_568 = arith.index_cast %mul3A_567 : i32 to index
        %get3A_569 = tpu.vector_load %arg7[%get3A_568] {strides = array<i32>} : memref<8736xi32, #tpu.memory_space<vmem>>, vector<16xi32>,
        %get3A_570 = vector.shape_cast %get3A_569 : vector<16xi32> to vector<16xi32>
        %ge3A_571 = vector.broadcast %add3A_269 : i32 to vector<16xi32>
        %ge3A_572 = arith.cmpi sge, %get3A_570, %ge3A_571 : vector<16xi32>
        %jit3A_573 = arith.constant 1 : i32
        %jit3A_574 = arith.constant 0 : i32
        %broadcast_in_dim3A_575 = vector.broadcast %jit3A_573 : i32 to vector<16xi32>
        %broadcast_in_dim3A_576 = vector.broadcast %jit3A_574 : i32 to vector<16xi32>
        %select_n3A_577 = arith.select %ge3A_572, %broadcast_in_dim3A_575, %broadcast_in_dim3A_576 : vector<16xi1>, vector<16xi32>
        %add3A_578 = arith.addi %add3A_563, %select_n3A_577 : vector<16xi32>
        %scan3A_579 = arith.constant 15 : i32
        %scan3A_580 = arith.addi %scan3A_354, %scan3A_579 : i32
        %mul3A_581 = arith.constant 16 : i32
        %mul3A_582 = arith.muli %scan3A_580, %mul3A_581 : i32
        %get3A_583 = arith.index_cast %mul3A_582 : i32 to index
        %get3A_584 = tpu.vector_load %arg7[%get3A_583] {strides = array<i32>} : memref<8736xi32, #tpu.memory_space<vmem>>, vector<16xi32>,
        %get3A_585 = vector.shape_cast %get3A_584 : vector<16xi32> to vector<16xi32>
        %ge3A_586 = vector.broadcast %add3A_269 : i32 to vector<16xi32>
        %ge3A_587 = arith.cmpi sge, %get3A_585, %ge3A_586 : vector<16xi32>
        %jit3A_588 = arith.constant 1 : i32
        %jit3A_589 = arith.constant 0 : i32
        %broadcast_in_dim3A_590 = vector.broadcast %jit3A_588 : i32 to vector<16xi32>
        %broadcast_in_dim3A_591 = vector.broadcast %jit3A_589 : i32 to vector<16xi32>
        %select_n3A_592 = arith.select %ge3A_587, %broadcast_in_dim3A_590, %broadcast_in_dim3A_591 : vector<16xi1>, vector<16xi32>
        %add3A_593 = arith.addi %add3A_578, %select_n3A_592 : vector<16xi32>
        scf.yield %add3A_593 : vector<16xi32>
      }
      %scan3A_277 = arith.constant 544 : i32
      %scan3A_278 = arith.addi %scan3A_272, %scan3A_277 : i32
      %mul3A_279 = arith.constant 16 : i32
      %mul3A_280 = arith.muli %scan3A_278, %mul3A_279 : i32
      %get3A_281 = arith.index_cast %mul3A_280 : i32 to index
      %get3A_282 = tpu.vector_load %arg7[%get3A_281] {strides = array<i32>} : memref<8736xi32, #tpu.memory_space<vmem>>, vector<16xi32>,
      %get3A_283 = vector.shape_cast %get3A_282 : vector<16xi32> to vector<16xi32>
      %ge3A = vector.broadcast %add3A_269 : i32 to vector<16xi32>
      %ge3A_284 = arith.cmpi sge, %get3A_283, %ge3A : vector<16xi32>
      %jit3A_285 = arith.constant 1 : i32
      %jit3A_286 = arith.constant 0 : i32
      %broadcast_in_dim3A_287 = vector.broadcast %jit3A_285 : i32 to vector<16xi32>
      %broadcast_in_dim3A_288 = vector.broadcast %jit3A_286 : i32 to vector<16xi32>
      %select_n3A_289 = arith.select %ge3A_284, %broadcast_in_dim3A_287, %broadcast_in_dim3A_288 : vector<16xi1>, vector<16xi32>
      %add3A_290 = arith.addi %scan3A_276, %select_n3A_289 : vector<16xi32>
      %scan3A_291 = arith.constant 545 : i32
      %scan3A_292 = arith.addi %scan3A_272, %scan3A_291 : i32
      %mul3A_293 = arith.constant 16 : i32
      %mul3A_294 = arith.muli %scan3A_292, %mul3A_293 : i32
      %get3A_295 = arith.index_cast %mul3A_294 : i32 to index
      %get3A_296 = tpu.vector_load %arg7[%get3A_295] {strides = array<i32>} : memref<8736xi32, #tpu.memory_space<vmem>>, vector<16xi32>,
      %get3A_297 = vector.shape_cast %get3A_296 : vector<16xi32> to vector<16xi32>
      %ge3A_298 = vector.broadcast %add3A_269 : i32 to vector<16xi32>
      %ge3A_299 = arith.cmpi sge, %get3A_297, %ge3A_298 : vector<16xi32>
      %jit3A_300 = arith.constant 1 : i32
      %jit3A_301 = arith.constant 0 : i32
      %broadcast_in_dim3A_302 = vector.broadcast %jit3A_300 : i32 to vector<16xi32>
      %broadcast_in_dim3A_303 = vector.broadcast %jit3A_301 : i32 to vector<16xi32>
      %select_n3A_304 = arith.select %ge3A_299, %broadcast_in_dim3A_302, %broadcast_in_dim3A_303 : vector<16xi1>, vector<16xi32>
      %add3A_305 = arith.addi %add3A_290, %select_n3A_304 : vector<16xi32>
      %scan3A_306 = arith.constant 546 : i32
      %iota3A_307 = tpu.iota {dimensions = array<i32: 0>} : vector<16xi32>
      %add3A_308 = arith.constant 8 : i32
      %add3A_309 = vector.broadcast %add3A_308 : i32 to vector<16xi32>
      %add3A_310 = arith.addi %iota3A_307, %add3A_309 : vector<16xi32>
      %and3A_311 = arith.constant 15 : i32
      %and3A_312 = vector.broadcast %and3A_311 : i32 to vector<16xi32>
      %and3A_313 = arith.andi %add3A_310, %and3A_312 : vector<16xi32>
      %broadcast_in_dim3A_314 = vector.shape_cast %and3A_313 : vector<16xi32> to vector<16x1xi32>
      %gather3A_315 = vector.shape_cast %broadcast_in_dim3A_314 : vector<16x1xi32> to vector<16xi32>
      %gather3A_316 = tpu.dynamic_gather %add3A_305[%gather3A_315] in [0] : vector<16xi32>, vector<16xi32> -> vector<16xi32>
      %add3A_317 = arith.addi %add3A_305, %gather3A_316 : vector<16xi32>
      %add3A_318 = arith.constant 4 : i32
      %add3A_319 = vector.broadcast %add3A_318 : i32 to vector<16xi32>
      %add3A_320 = arith.addi %iota3A_307, %add3A_319 : vector<16xi32>
      %and3A_321 = arith.constant 15 : i32
      %and3A_322 = vector.broadcast %and3A_321 : i32 to vector<16xi32>
      %and3A_323 = arith.andi %add3A_320, %and3A_322 : vector<16xi32>
      %broadcast_in_dim3A_324 = vector.shape_cast %and3A_323 : vector<16xi32> to vector<16x1xi32>
      %gather3A_325 = vector.shape_cast %broadcast_in_dim3A_324 : vector<16x1xi32> to vector<16xi32>
      %gather3A_326 = tpu.dynamic_gather %add3A_317[%gather3A_325] in [0] : vector<16xi32>, vector<16xi32> -> vector<16xi32>
      %add3A_327 = arith.addi %add3A_317, %gather3A_326 : vector<16xi32>
      %add3A_328 = arith.constant 2 : i32
      %add3A_329 = vector.broadcast %add3A_328 : i32 to vector<16xi32>
      %add3A_330 = arith.addi %iota3A_307, %add3A_329 : vector<16xi32>
      %and3A_331 = arith.constant 15 : i32
      %and3A_332 = vector.broadcast %and3A_331 : i32 to vector<16xi32>
      %and3A_333 = arith.andi %add3A_330, %and3A_332 : vector<16xi32>
      %broadcast_in_dim3A_334 = vector.shape_cast %and3A_333 : vector<16xi32> to vector<16x1xi32>
      %gather3A_335 = vector.shape_cast %broadcast_in_dim3A_334 : vector<16x1xi32> to vector<16xi32>
      %gather3A_336 = tpu.dynamic_gather %add3A_327[%gather3A_335] in [0] : vector<16xi32>, vector<16xi32> -> vector<16xi32>
      %add3A_337 = arith.addi %add3A_327, %gather3A_336 : vector<16xi32>
      %add3A_338 = arith.constant 1 : i32
      %add3A_339 = vector.broadcast %add3A_338 : i32 to vector<16xi32>
      %add3A_340 = arith.addi %iota3A_307, %add3A_339 : vector<16xi32>
      %and3A_341 = arith.constant 15 : i32
      %and3A_342 = vector.broadcast %and3A_341 : i32 to vector<16xi32>
      %and3A_343 = arith.andi %add3A_340, %and3A_342 : vector<16xi32>
      %broadcast_in_dim3A_344 = vector.shape_cast %and3A_343 : vector<16xi32> to vector<16x1xi32>
      %gather3A_345 = vector.shape_cast %broadcast_in_dim3A_344 : vector<16x1xi32> to vector<16xi32>
      %gather3A_346 = tpu.dynamic_gather %add3A_337[%gather3A_345] in [0] : vector<16xi32>, vector<16xi32> -> vector<16xi32>
      %add3A_347 = arith.addi %add3A_337, %gather3A_346 : vector<16xi32>
      %slice3A_348 = vector.extract_strided_slice %add3A_347 {offsets = [0], sizes = [1], strides = [1]} : vector<16xi32> to vector<1xi32>
      %squeeze3A_349 = vector.extract %slice3A_348[0] : i32 from vector<1xi32>
      %convert_element_type3A_350 = arith.sitofp %squeeze3A_349 : i32 to f32
      %ge3A_351 = arith.cmpf oge, %convert_element_type3A_350, %min3A_9 : f32
      %select_n3A_352 = arith.select %ge3A_351, %add3A_269, %scan3A_246 : i32
      %select_n3A_353 = arith.select %ge3A_351, %scan3A_247, %add3A_269 : i32
      scf.yield %select_n3A_352, %select_n3A_353 : i32, i32
    }
    %scan3A_16 = arith.constant 31 : i32
    %broadcast_in_dim3A = arith.constant 0.000000e+00 : f32
    %broadcast_in_dim3A_17 = vector.broadcast %broadcast_in_dim3A : f32 to vector<16xf32>
    %broadcast_in_dim3A_18 = arith.constant 0 : i32
    %broadcast_in_dim3A_19 = vector.broadcast %broadcast_in_dim3A_18 : i32 to vector<16xi32>
    %broadcast_in_dim3A_20 = arith.constant -1.000000e+00 : f32
    %broadcast_in_dim3A_21 = vector.broadcast %broadcast_in_dim3A_20 : f32 to vector<16xf32>
    %scan3A_22 = arith.constant 0 : i32
    %scan3A_23 = arith.constant 544 : i32
    %scan3A_24 = arith.addi %scan3A_22, %scan3A_23 : i32
    %scan3A_25 = arith.constant 8 : i32
    %scan3A_26:3 = scf.for %scan3A_245 = %scan3A_22 to %scan3A_24 step %scan3A_25 iter_args(%scan3A_246 = %broadcast_in_dim3A_17, %scan3A_247 = %broadcast_in_dim3A_19, %scan3A_248 = %broadcast_in_dim3A_21) -> (vector<16xf32>, vector<16xi32>, vector<16xf32>)  : i32 {
      %mul3A_249 = arith.constant 16 : i32
      %mul3A_250 = arith.muli %scan3A_245, %mul3A_249 : i32
      %get3A_251 = arith.index_cast %mul3A_250 : i32 to index
      %get3A_252 = tpu.vector_load %arg6[%get3A_251] {strides = array<i32>} : memref<8736xf32, #tpu.memory_space<vmem>>, vector<16xf32>,
      %get3A_253 = vector.shape_cast %get3A_252 : vector<16xf32> to vector<16xf32>
      %mul3A_254 = arith.constant 16 : i32
      %mul3A_255 = arith.muli %scan3A_245, %mul3A_254 : i32
      %get3A_256 = arith.index_cast %mul3A_255 : i32 to index
      %get3A_257 = tpu.vector_load %arg7[%get3A_256] {strides = array<i32>} : memref<8736xi32, #tpu.memory_space<vmem>>, vector<16xi32>,
      %get3A_258 = vector.shape_cast %get3A_257 : vector<16xi32> to vector<16xi32>
      %gt3A_259 = vector.broadcast %scan3A_15#0 : i32 to vector<16xi32>
      %gt3A_260 = arith.cmpi sgt, %get3A_258, %gt3A_259 : vector<16xi32>
      %jit3A_261 = arith.constant 0.000000e+00 : f32
      %broadcast_in_dim3A_262 = vector.broadcast %jit3A_261 : f32 to vector<16xf32>
      %select_n3A_263 = arith.select %gt3A_260, %get3A_253, %broadcast_in_dim3A_262 : vector<16xi1>, vector<16xf32>
      %add3A_264 = arith.addf %scan3A_246, %select_n3A_263 : vector<16xf32>
      %jit3A_265 = arith.constant 1 : i32
      %jit3A_266 = arith.constant 0 : i32
      %broadcast_in_dim3A_267 = vector.broadcast %jit3A_265 : i32 to vector<16xi32>
      %broadcast_in_dim3A_268 = vector.broadcast %jit3A_266 : i32 to vector<16xi32>
      %select_n3A_269 = arith.select %gt3A_260, %broadcast_in_dim3A_267, %broadcast_in_dim3A_268 : vector<16xi1>, vector<16xi32>
      %add3A_270 = arith.addi %scan3A_247, %select_n3A_269 : vector<16xi32>
      %jit3A_271 = arith.constant -1.000000e+00 : f32
      %broadcast_in_dim3A_272 = vector.broadcast %jit3A_271 : f32 to vector<16xf32>
      %select_n3A_273 = arith.select %gt3A_260, %broadcast_in_dim3A_272, %get3A_253 : vector<16xi1>, vector<16xf32>
      %max3A_274 = arith.maximumf %scan3A_248, %select_n3A_273 : vector<16xf32>
      %scan3A_275 = arith.constant 1 : i32
      %scan3A_276 = arith.addi %scan3A_245, %scan3A_275 : i32
      %mul3A_277 = arith.constant 16 : i32
      %mul3A_278 = arith.muli %scan3A_276, %mul3A_277 : i32
      %get3A_279 = arith.index_cast %mul3A_278 : i32 to index
      %get3A_280 = tpu.vector_load %arg6[%get3A_279] {strides = array<i32>} : memref<8736xf32, #tpu.memory_space<vmem>>, vector<16xf32>,
      %get3A_281 = vector.shape_cast %get3A_280 : vector<16xf32> to vector<16xf32>
      %mul3A_282 = arith.constant 16 : i32
      %mul3A_283 = arith.muli %scan3A_276, %mul3A_282 : i32
      %get3A_284 = arith.index_cast %mul3A_283 : i32 to index
      %get3A_285 = tpu.vector_load %arg7[%get3A_284] {strides = array<i32>} : memref<8736xi32, #tpu.memory_space<vmem>>, vector<16xi32>,
      %get3A_286 = vector.shape_cast %get3A_285 : vector<16xi32> to vector<16xi32>
      %gt3A_287 = vector.broadcast %scan3A_15#0 : i32 to vector<16xi32>
      %gt3A_288 = arith.cmpi sgt, %get3A_286, %gt3A_287 : vector<16xi32>
      %jit3A_289 = arith.constant 0.000000e+00 : f32
      %broadcast_in_dim3A_290 = vector.broadcast %jit3A_289 : f32 to vector<16xf32>
      %select_n3A_291 = arith.select %gt3A_288, %get3A_281, %broadcast_in_dim3A_290 : vector<16xi1>, vector<16xf32>
      %add3A_292 = arith.addf %add3A_264, %select_n3A_291 : vector<16xf32>
      %jit3A_293 = arith.constant 1 : i32
      %jit3A_294 = arith.constant 0 : i32
      %broadcast_in_dim3A_295 = vector.broadcast %jit3A_293 : i32 to vector<16xi32>
      %broadcast_in_dim3A_296 = vector.broadcast %jit3A_294 : i32 to vector<16xi32>
      %select_n3A_297 = arith.select %gt3A_288, %broadcast_in_dim3A_295, %broadcast_in_dim3A_296 : vector<16xi1>, vector<16xi32>
      %add3A_298 = arith.addi %add3A_270, %select_n3A_297 : vector<16xi32>
      %jit3A_299 = arith.constant -1.000000e+00 : f32
      %broadcast_in_dim3A_300 = vector.broadcast %jit3A_299 : f32 to vector<16xf32>
      %select_n3A_301 = arith.select %gt3A_288, %broadcast_in_dim3A_300, %get3A_281 : vector<16xi1>, vector<16xf32>
      %max3A_302 = arith.maximumf %max3A_274, %select_n3A_301 : vector<16xf32>
      %scan3A_303 = arith.constant 2 : i32
      %scan3A_304 = arith.addi %scan3A_245, %scan3A_303 : i32
      %mul3A_305 = arith.constant 16 : i32
      %mul3A_306 = arith.muli %scan3A_304, %mul3A_305 : i32
      %get3A_307 = arith.index_cast %mul3A_306 : i32 to index
      %get3A_308 = tpu.vector_load %arg6[%get3A_307] {strides = array<i32>} : memref<8736xf32, #tpu.memory_space<vmem>>, vector<16xf32>,
      %get3A_309 = vector.shape_cast %get3A_308 : vector<16xf32> to vector<16xf32>
      %mul3A_310 = arith.constant 16 : i32
      %mul3A_311 = arith.muli %scan3A_304, %mul3A_310 : i32
      %get3A_312 = arith.index_cast %mul3A_311 : i32 to index
      %get3A_313 = tpu.vector_load %arg7[%get3A_312] {strides = array<i32>} : memref<8736xi32, #tpu.memory_space<vmem>>, vector<16xi32>,
      %get3A_314 = vector.shape_cast %get3A_313 : vector<16xi32> to vector<16xi32>
      %gt3A_315 = vector.broadcast %scan3A_15#0 : i32 to vector<16xi32>
      %gt3A_316 = arith.cmpi sgt, %get3A_314, %gt3A_315 : vector<16xi32>
      %jit3A_317 = arith.constant 0.000000e+00 : f32
      %broadcast_in_dim3A_318 = vector.broadcast %jit3A_317 : f32 to vector<16xf32>
      %select_n3A_319 = arith.select %gt3A_316, %get3A_309, %broadcast_in_dim3A_318 : vector<16xi1>, vector<16xf32>
      %add3A_320 = arith.addf %add3A_292, %select_n3A_319 : vector<16xf32>
      %jit3A_321 = arith.constant 1 : i32
      %jit3A_322 = arith.constant 0 : i32
      %broadcast_in_dim3A_323 = vector.broadcast %jit3A_321 : i32 to vector<16xi32>
      %broadcast_in_dim3A_324 = vector.broadcast %jit3A_322 : i32 to vector<16xi32>
      %select_n3A_325 = arith.select %gt3A_316, %broadcast_in_dim3A_323, %broadcast_in_dim3A_324 : vector<16xi1>, vector<16xi32>
      %add3A_326 = arith.addi %add3A_298, %select_n3A_325 : vector<16xi32>
      %jit3A_327 = arith.constant -1.000000e+00 : f32
      %broadcast_in_dim3A_328 = vector.broadcast %jit3A_327 : f32 to vector<16xf32>
      %select_n3A_329 = arith.select %gt3A_316, %broadcast_in_dim3A_328, %get3A_309 : vector<16xi1>, vector<16xf32>
      %max3A_330 = arith.maximumf %max3A_302, %select_n3A_329 : vector<16xf32>
      %scan3A_331 = arith.constant 3 : i32
      %scan3A_332 = arith.addi %scan3A_245, %scan3A_331 : i32
      %mul3A_333 = arith.constant 16 : i32
      %mul3A_334 = arith.muli %scan3A_332, %mul3A_333 : i32
      %get3A_335 = arith.index_cast %mul3A_334 : i32 to index
      %get3A_336 = tpu.vector_load %arg6[%get3A_335] {strides = array<i32>} : memref<8736xf32, #tpu.memory_space<vmem>>, vector<16xf32>,
      %get3A_337 = vector.shape_cast %get3A_336 : vector<16xf32> to vector<16xf32>
      %mul3A_338 = arith.constant 16 : i32
      %mul3A_339 = arith.muli %scan3A_332, %mul3A_338 : i32
      %get3A_340 = arith.index_cast %mul3A_339 : i32 to index
      %get3A_341 = tpu.vector_load %arg7[%get3A_340] {strides = array<i32>} : memref<8736xi32, #tpu.memory_space<vmem>>, vector<16xi32>,
      %get3A_342 = vector.shape_cast %get3A_341 : vector<16xi32> to vector<16xi32>
      %gt3A_343 = vector.broadcast %scan3A_15#0 : i32 to vector<16xi32>
      %gt3A_344 = arith.cmpi sgt, %get3A_342, %gt3A_343 : vector<16xi32>
      %jit3A_345 = arith.constant 0.000000e+00 : f32
      %broadcast_in_dim3A_346 = vector.broadcast %jit3A_345 : f32 to vector<16xf32>
      %select_n3A_347 = arith.select %gt3A_344, %get3A_337, %broadcast_in_dim3A_346 : vector<16xi1>, vector<16xf32>
      %add3A_348 = arith.addf %add3A_320, %select_n3A_347 : vector<16xf32>
      %jit3A_349 = arith.constant 1 : i32
      %jit3A_350 = arith.constant 0 : i32
      %broadcast_in_dim3A_351 = vector.broadcast %jit3A_349 : i32 to vector<16xi32>
      %broadcast_in_dim3A_352 = vector.broadcast %jit3A_350 : i32 to vector<16xi32>
      %select_n3A_353 = arith.select %gt3A_344, %broadcast_in_dim3A_351, %broadcast_in_dim3A_352 : vector<16xi1>, vector<16xi32>
      %add3A_354 = arith.addi %add3A_326, %select_n3A_353 : vector<16xi32>
      %jit3A_355 = arith.constant -1.000000e+00 : f32
      %broadcast_in_dim3A_356 = vector.broadcast %jit3A_355 : f32 to vector<16xf32>
      %select_n3A_357 = arith.select %gt3A_344, %broadcast_in_dim3A_356, %get3A_337 : vector<16xi1>, vector<16xf32>
      %max3A_358 = arith.maximumf %max3A_330, %select_n3A_357 : vector<16xf32>
      %scan3A_359 = arith.constant 4 : i32
      %scan3A_360 = arith.addi %scan3A_245, %scan3A_359 : i32
      %mul3A_361 = arith.constant 16 : i32
      %mul3A_362 = arith.muli %scan3A_360, %mul3A_361 : i32
      %get3A_363 = arith.index_cast %mul3A_362 : i32 to index
      %get3A_364 = tpu.vector_load %arg6[%get3A_363] {strides = array<i32>} : memref<8736xf32, #tpu.memory_space<vmem>>, vector<16xf32>,
      %get3A_365 = vector.shape_cast %get3A_364 : vector<16xf32> to vector<16xf32>
      %mul3A_366 = arith.constant 16 : i32
      %mul3A_367 = arith.muli %scan3A_360, %mul3A_366 : i32
      %get3A_368 = arith.index_cast %mul3A_367 : i32 to index
      %get3A_369 = tpu.vector_load %arg7[%get3A_368] {strides = array<i32>} : memref<8736xi32, #tpu.memory_space<vmem>>, vector<16xi32>,
      %get3A_370 = vector.shape_cast %get3A_369 : vector<16xi32> to vector<16xi32>
      %gt3A_371 = vector.broadcast %scan3A_15#0 : i32 to vector<16xi32>
      %gt3A_372 = arith.cmpi sgt, %get3A_370, %gt3A_371 : vector<16xi32>
      %jit3A_373 = arith.constant 0.000000e+00 : f32
      %broadcast_in_dim3A_374 = vector.broadcast %jit3A_373 : f32 to vector<16xf32>
      %select_n3A_375 = arith.select %gt3A_372, %get3A_365, %broadcast_in_dim3A_374 : vector<16xi1>, vector<16xf32>
      %add3A_376 = arith.addf %add3A_348, %select_n3A_375 : vector<16xf32>
      %jit3A_377 = arith.constant 1 : i32
      %jit3A_378 = arith.constant 0 : i32
      %broadcast_in_dim3A_379 = vector.broadcast %jit3A_377 : i32 to vector<16xi32>
      %broadcast_in_dim3A_380 = vector.broadcast %jit3A_378 : i32 to vector<16xi32>
      %select_n3A_381 = arith.select %gt3A_372, %broadcast_in_dim3A_379, %broadcast_in_dim3A_380 : vector<16xi1>, vector<16xi32>
      %add3A_382 = arith.addi %add3A_354, %select_n3A_381 : vector<16xi32>
      %jit3A_383 = arith.constant -1.000000e+00 : f32
      %broadcast_in_dim3A_384 = vector.broadcast %jit3A_383 : f32 to vector<16xf32>
      %select_n3A_385 = arith.select %gt3A_372, %broadcast_in_dim3A_384, %get3A_365 : vector<16xi1>, vector<16xf32>
      %max3A_386 = arith.maximumf %max3A_358, %select_n3A_385 : vector<16xf32>
      %scan3A_387 = arith.constant 5 : i32
      %scan3A_388 = arith.addi %scan3A_245, %scan3A_387 : i32
      %mul3A_389 = arith.constant 16 : i32
      %mul3A_390 = arith.muli %scan3A_388, %mul3A_389 : i32
      %get3A_391 = arith.index_cast %mul3A_390 : i32 to index
      %get3A_392 = tpu.vector_load %arg6[%get3A_391] {strides = array<i32>} : memref<8736xf32, #tpu.memory_space<vmem>>, vector<16xf32>,
      %get3A_393 = vector.shape_cast %get3A_392 : vector<16xf32> to vector<16xf32>
      %mul3A_394 = arith.constant 16 : i32
      %mul3A_395 = arith.muli %scan3A_388, %mul3A_394 : i32
      %get3A_396 = arith.index_cast %mul3A_395 : i32 to index
      %get3A_397 = tpu.vector_load %arg7[%get3A_396] {strides = array<i32>} : memref<8736xi32, #tpu.memory_space<vmem>>, vector<16xi32>,
      %get3A_398 = vector.shape_cast %get3A_397 : vector<16xi32> to vector<16xi32>
      %gt3A_399 = vector.broadcast %scan3A_15#0 : i32 to vector<16xi32>
      %gt3A_400 = arith.cmpi sgt, %get3A_398, %gt3A_399 : vector<16xi32>
      %jit3A_401 = arith.constant 0.000000e+00 : f32
      %broadcast_in_dim3A_402 = vector.broadcast %jit3A_401 : f32 to vector<16xf32>
      %select_n3A_403 = arith.select %gt3A_400, %get3A_393, %broadcast_in_dim3A_402 : vector<16xi1>, vector<16xf32>
      %add3A_404 = arith.addf %add3A_376, %select_n3A_403 : vector<16xf32>
      %jit3A_405 = arith.constant 1 : i32
      %jit3A_406 = arith.constant 0 : i32
      %broadcast_in_dim3A_407 = vector.broadcast %jit3A_405 : i32 to vector<16xi32>
      %broadcast_in_dim3A_408 = vector.broadcast %jit3A_406 : i32 to vector<16xi32>
      %select_n3A_409 = arith.select %gt3A_400, %broadcast_in_dim3A_407, %broadcast_in_dim3A_408 : vector<16xi1>, vector<16xi32>
      %add3A_410 = arith.addi %add3A_382, %select_n3A_409 : vector<16xi32>
      %jit3A_411 = arith.constant -1.000000e+00 : f32
      %broadcast_in_dim3A_412 = vector.broadcast %jit3A_411 : f32 to vector<16xf32>
      %select_n3A_413 = arith.select %gt3A_400, %broadcast_in_dim3A_412, %get3A_393 : vector<16xi1>, vector<16xf32>
      %max3A_414 = arith.maximumf %max3A_386, %select_n3A_413 : vector<16xf32>
      %scan3A_415 = arith.constant 6 : i32
      %scan3A_416 = arith.addi %scan3A_245, %scan3A_415 : i32
      %mul3A_417 = arith.constant 16 : i32
      %mul3A_418 = arith.muli %scan3A_416, %mul3A_417 : i32
      %get3A_419 = arith.index_cast %mul3A_418 : i32 to index
      %get3A_420 = tpu.vector_load %arg6[%get3A_419] {strides = array<i32>} : memref<8736xf32, #tpu.memory_space<vmem>>, vector<16xf32>,
      %get3A_421 = vector.shape_cast %get3A_420 : vector<16xf32> to vector<16xf32>
      %mul3A_422 = arith.constant 16 : i32
      %mul3A_423 = arith.muli %scan3A_416, %mul3A_422 : i32
      %get3A_424 = arith.index_cast %mul3A_423 : i32 to index
      %get3A_425 = tpu.vector_load %arg7[%get3A_424] {strides = array<i32>} : memref<8736xi32, #tpu.memory_space<vmem>>, vector<16xi32>,
      %get3A_426 = vector.shape_cast %get3A_425 : vector<16xi32> to vector<16xi32>
      %gt3A_427 = vector.broadcast %scan3A_15#0 : i32 to vector<16xi32>
      %gt3A_428 = arith.cmpi sgt, %get3A_426, %gt3A_427 : vector<16xi32>
      %jit3A_429 = arith.constant 0.000000e+00 : f32
      %broadcast_in_dim3A_430 = vector.broadcast %jit3A_429 : f32 to vector<16xf32>
      %select_n3A_431 = arith.select %gt3A_428, %get3A_421, %broadcast_in_dim3A_430 : vector<16xi1>, vector<16xf32>
      %add3A_432 = arith.addf %add3A_404, %select_n3A_431 : vector<16xf32>
      %jit3A_433 = arith.constant 1 : i32
      %jit3A_434 = arith.constant 0 : i32
      %broadcast_in_dim3A_435 = vector.broadcast %jit3A_433 : i32 to vector<16xi32>
      %broadcast_in_dim3A_436 = vector.broadcast %jit3A_434 : i32 to vector<16xi32>
      %select_n3A_437 = arith.select %gt3A_428, %broadcast_in_dim3A_435, %broadcast_in_dim3A_436 : vector<16xi1>, vector<16xi32>
      %add3A_438 = arith.addi %add3A_410, %select_n3A_437 : vector<16xi32>
      %jit3A_439 = arith.constant -1.000000e+00 : f32
      %broadcast_in_dim3A_440 = vector.broadcast %jit3A_439 : f32 to vector<16xf32>
      %select_n3A_441 = arith.select %gt3A_428, %broadcast_in_dim3A_440, %get3A_421 : vector<16xi1>, vector<16xf32>
      %max3A_442 = arith.maximumf %max3A_414, %select_n3A_441 : vector<16xf32>
      %scan3A_443 = arith.constant 7 : i32
      %scan3A_444 = arith.addi %scan3A_245, %scan3A_443 : i32
      %mul3A_445 = arith.constant 16 : i32
      %mul3A_446 = arith.muli %scan3A_444, %mul3A_445 : i32
      %get3A_447 = arith.index_cast %mul3A_446 : i32 to index
      %get3A_448 = tpu.vector_load %arg6[%get3A_447] {strides = array<i32>} : memref<8736xf32, #tpu.memory_space<vmem>>, vector<16xf32>,
      %get3A_449 = vector.shape_cast %get3A_448 : vector<16xf32> to vector<16xf32>
      %mul3A_450 = arith.constant 16 : i32
      %mul3A_451 = arith.muli %scan3A_444, %mul3A_450 : i32
      %get3A_452 = arith.index_cast %mul3A_451 : i32 to index
      %get3A_453 = tpu.vector_load %arg7[%get3A_452] {strides = array<i32>} : memref<8736xi32, #tpu.memory_space<vmem>>, vector<16xi32>,
      %get3A_454 = vector.shape_cast %get3A_453 : vector<16xi32> to vector<16xi32>
      %gt3A_455 = vector.broadcast %scan3A_15#0 : i32 to vector<16xi32>
      %gt3A_456 = arith.cmpi sgt, %get3A_454, %gt3A_455 : vector<16xi32>
      %jit3A_457 = arith.constant 0.000000e+00 : f32
      %broadcast_in_dim3A_458 = vector.broadcast %jit3A_457 : f32 to vector<16xf32>
      %select_n3A_459 = arith.select %gt3A_456, %get3A_449, %broadcast_in_dim3A_458 : vector<16xi1>, vector<16xf32>
      %add3A_460 = arith.addf %add3A_432, %select_n3A_459 : vector<16xf32>
      %jit3A_461 = arith.constant 1 : i32
      %jit3A_462 = arith.constant 0 : i32
      %broadcast_in_dim3A_463 = vector.broadcast %jit3A_461 : i32 to vector<16xi32>
      %broadcast_in_dim3A_464 = vector.broadcast %jit3A_462 : i32 to vector<16xi32>
      %select_n3A_465 = arith.select %gt3A_456, %broadcast_in_dim3A_463, %broadcast_in_dim3A_464 : vector<16xi1>, vector<16xi32>
      %add3A_466 = arith.addi %add3A_438, %select_n3A_465 : vector<16xi32>
      %jit3A_467 = arith.constant -1.000000e+00 : f32
      %broadcast_in_dim3A_468 = vector.broadcast %jit3A_467 : f32 to vector<16xf32>
      %select_n3A_469 = arith.select %gt3A_456, %broadcast_in_dim3A_468, %get3A_449 : vector<16xi1>, vector<16xf32>
      %max3A_470 = arith.maximumf %max3A_442, %select_n3A_469 : vector<16xf32>
      scf.yield %add3A_460, %add3A_466, %max3A_470 : vector<16xf32>, vector<16xi32>, vector<16xf32>
    }
    %scan3A_27 = arith.constant 544 : i32
    %scan3A_28 = arith.addi %scan3A_22, %scan3A_27 : i32
    %mul3A_29 = arith.constant 16 : i32
    %mul3A_30 = arith.muli %scan3A_28, %mul3A_29 : i32
    %get3A_31 = arith.index_cast %mul3A_30 : i32 to index
    %get3A_32 = tpu.vector_load %arg6[%get3A_31] {strides = array<i32>} : memref<8736xf32, #tpu.memory_space<vmem>>, vector<16xf32>,
    %get3A_33 = vector.shape_cast %get3A_32 : vector<16xf32> to vector<16xf32>
    %mul3A_34 = arith.constant 16 : i32
    %mul3A_35 = arith.muli %scan3A_28, %mul3A_34 : i32
    %get3A_36 = arith.index_cast %mul3A_35 : i32 to index
    %get3A_37 = tpu.vector_load %arg7[%get3A_36] {strides = array<i32>} : memref<8736xi32, #tpu.memory_space<vmem>>, vector<16xi32>,
    %get3A_38 = vector.shape_cast %get3A_37 : vector<16xi32> to vector<16xi32>
    %gt3A = vector.broadcast %scan3A_15#0 : i32 to vector<16xi32>
    %gt3A_39 = arith.cmpi sgt, %get3A_38, %gt3A : vector<16xi32>
    %jit3A = arith.constant 0.000000e+00 : f32
    %broadcast_in_dim3A_40 = vector.broadcast %jit3A : f32 to vector<16xf32>
    %select_n3A = arith.select %gt3A_39, %get3A_33, %broadcast_in_dim3A_40 : vector<16xi1>, vector<16xf32>
    %add3A_41 = arith.addf %scan3A_26#0, %select_n3A : vector<16xf32>
    %jit3A_42 = arith.constant 1 : i32
    %jit3A_43 = arith.constant 0 : i32
    %broadcast_in_dim3A_44 = vector.broadcast %jit3A_42 : i32 to vector<16xi32>
    %broadcast_in_dim3A_45 = vector.broadcast %jit3A_43 : i32 to vector<16xi32>
    %select_n3A_46 = arith.select %gt3A_39, %broadcast_in_dim3A_44, %broadcast_in_dim3A_45 : vector<16xi1>, vector<16xi32>
    %add3A_47 = arith.addi %scan3A_26#1, %select_n3A_46 : vector<16xi32>
    %jit3A_48 = arith.constant -1.000000e+00 : f32
    %broadcast_in_dim3A_49 = vector.broadcast %jit3A_48 : f32 to vector<16xf32>
    %select_n3A_50 = arith.select %gt3A_39, %broadcast_in_dim3A_49, %get3A_33 : vector<16xi1>, vector<16xf32>
    %max3A = arith.maximumf %scan3A_26#2, %select_n3A_50 : vector<16xf32>
    %scan3A_51 = arith.constant 545 : i32
    %scan3A_52 = arith.addi %scan3A_22, %scan3A_51 : i32
    %mul3A_53 = arith.constant 16 : i32
    %mul3A_54 = arith.muli %scan3A_52, %mul3A_53 : i32
    %get3A_55 = arith.index_cast %mul3A_54 : i32 to index
    %get3A_56 = tpu.vector_load %arg6[%get3A_55] {strides = array<i32>} : memref<8736xf32, #tpu.memory_space<vmem>>, vector<16xf32>,
    %get3A_57 = vector.shape_cast %get3A_56 : vector<16xf32> to vector<16xf32>
    %mul3A_58 = arith.constant 16 : i32
    %mul3A_59 = arith.muli %scan3A_52, %mul3A_58 : i32
    %get3A_60 = arith.index_cast %mul3A_59 : i32 to index
    %get3A_61 = tpu.vector_load %arg7[%get3A_60] {strides = array<i32>} : memref<8736xi32, #tpu.memory_space<vmem>>, vector<16xi32>,
    %get3A_62 = vector.shape_cast %get3A_61 : vector<16xi32> to vector<16xi32>
    %gt3A_63 = vector.broadcast %scan3A_15#0 : i32 to vector<16xi32>
    %gt3A_64 = arith.cmpi sgt, %get3A_62, %gt3A_63 : vector<16xi32>
    %jit3A_65 = arith.constant 0.000000e+00 : f32
    %broadcast_in_dim3A_66 = vector.broadcast %jit3A_65 : f32 to vector<16xf32>
    %select_n3A_67 = arith.select %gt3A_64, %get3A_57, %broadcast_in_dim3A_66 : vector<16xi1>, vector<16xf32>
    %add3A_68 = arith.addf %add3A_41, %select_n3A_67 : vector<16xf32>
    %jit3A_69 = arith.constant 1 : i32
    %jit3A_70 = arith.constant 0 : i32
    %broadcast_in_dim3A_71 = vector.broadcast %jit3A_69 : i32 to vector<16xi32>
    %broadcast_in_dim3A_72 = vector.broadcast %jit3A_70 : i32 to vector<16xi32>
    %select_n3A_73 = arith.select %gt3A_64, %broadcast_in_dim3A_71, %broadcast_in_dim3A_72 : vector<16xi1>, vector<16xi32>
    %add3A_74 = arith.addi %add3A_47, %select_n3A_73 : vector<16xi32>
    %jit3A_75 = arith.constant -1.000000e+00 : f32
    %broadcast_in_dim3A_76 = vector.broadcast %jit3A_75 : f32 to vector<16xf32>
    %select_n3A_77 = arith.select %gt3A_64, %broadcast_in_dim3A_76, %get3A_57 : vector<16xi1>, vector<16xf32>
    %max3A_78 = arith.maximumf %max3A, %select_n3A_77 : vector<16xf32>
    %scan3A_79 = arith.constant 546 : i32
    %iota3A_80 = tpu.iota {dimensions = array<i32: 0>} : vector<16xi32>
    %add3A_81 = arith.constant 8 : i32
    %add3A_82 = vector.broadcast %add3A_81 : i32 to vector<16xi32>
    %add3A_83 = arith.addi %iota3A_80, %add3A_82 : vector<16xi32>
    %and3A = arith.constant 15 : i32
    %and3A_84 = vector.broadcast %and3A : i32 to vector<16xi32>
    %and3A_85 = arith.andi %add3A_83, %and3A_84 : vector<16xi32>
    %broadcast_in_dim3A_86 = vector.shape_cast %and3A_85 : vector<16xi32> to vector<16x1xi32>
    %gather3A = vector.shape_cast %broadcast_in_dim3A_86 : vector<16x1xi32> to vector<16xi32>
    %gather3A_87 = tpu.dynamic_gather %add3A_68[%gather3A] in [0] : vector<16xf32>, vector<16xi32> -> vector<16xf32>
    %add3A_88 = arith.addf %add3A_68, %gather3A_87 : vector<16xf32>
    %add3A_89 = arith.constant 4 : i32
    %add3A_90 = vector.broadcast %add3A_89 : i32 to vector<16xi32>
    %add3A_91 = arith.addi %iota3A_80, %add3A_90 : vector<16xi32>
    %and3A_92 = arith.constant 15 : i32
    %and3A_93 = vector.broadcast %and3A_92 : i32 to vector<16xi32>
    %and3A_94 = arith.andi %add3A_91, %and3A_93 : vector<16xi32>
    %broadcast_in_dim3A_95 = vector.shape_cast %and3A_94 : vector<16xi32> to vector<16x1xi32>
    %gather3A_96 = vector.shape_cast %broadcast_in_dim3A_95 : vector<16x1xi32> to vector<16xi32>
    %gather3A_97 = tpu.dynamic_gather %add3A_88[%gather3A_96] in [0] : vector<16xf32>, vector<16xi32> -> vector<16xf32>
    %add3A_98 = arith.addf %add3A_88, %gather3A_97 : vector<16xf32>
    %add3A_99 = arith.constant 2 : i32
    %add3A_100 = vector.broadcast %add3A_99 : i32 to vector<16xi32>
    %add3A_101 = arith.addi %iota3A_80, %add3A_100 : vector<16xi32>
    %and3A_102 = arith.constant 15 : i32
    %and3A_103 = vector.broadcast %and3A_102 : i32 to vector<16xi32>
    %and3A_104 = arith.andi %add3A_101, %and3A_103 : vector<16xi32>
    %broadcast_in_dim3A_105 = vector.shape_cast %and3A_104 : vector<16xi32> to vector<16x1xi32>
    %gather3A_106 = vector.shape_cast %broadcast_in_dim3A_105 : vector<16x1xi32> to vector<16xi32>
    %gather3A_107 = tpu.dynamic_gather %add3A_98[%gather3A_106] in [0] : vector<16xf32>, vector<16xi32> -> vector<16xf32>
    %add3A_108 = arith.addf %add3A_98, %gather3A_107 : vector<16xf32>
    %add3A_109 = arith.constant 1 : i32
    %add3A_110 = vector.broadcast %add3A_109 : i32 to vector<16xi32>
    %add3A_111 = arith.addi %iota3A_80, %add3A_110 : vector<16xi32>
    %and3A_112 = arith.constant 15 : i32
    %and3A_113 = vector.broadcast %and3A_112 : i32 to vector<16xi32>
    %and3A_114 = arith.andi %add3A_111, %and3A_113 : vector<16xi32>
    %broadcast_in_dim3A_115 = vector.shape_cast %and3A_114 : vector<16xi32> to vector<16x1xi32>
    %gather3A_116 = vector.shape_cast %broadcast_in_dim3A_115 : vector<16x1xi32> to vector<16xi32>
    %gather3A_117 = tpu.dynamic_gather %add3A_108[%gather3A_116] in [0] : vector<16xf32>, vector<16xi32> -> vector<16xf32>
    %add3A_118 = arith.addf %add3A_108, %gather3A_117 : vector<16xf32>
    %slice3A_119 = vector.extract_strided_slice %add3A_118 {offsets = [0], sizes = [1], strides = [1]} : vector<16xf32> to vector<1xf32>
    %squeeze3A_120 = vector.extract %slice3A_119[0] : f32 from vector<1xf32>
    %iota3A_121 = tpu.iota {dimensions = array<i32: 0>} : vector<16xi32>
    %add3A_122 = arith.constant 8 : i32
    %add3A_123 = vector.broadcast %add3A_122 : i32 to vector<16xi32>
    %add3A_124 = arith.addi %iota3A_121, %add3A_123 : vector<16xi32>
    %and3A_125 = arith.constant 15 : i32
    %and3A_126 = vector.broadcast %and3A_125 : i32 to vector<16xi32>
    %and3A_127 = arith.andi %add3A_124, %and3A_126 : vector<16xi32>
    %broadcast_in_dim3A_128 = vector.shape_cast %and3A_127 : vector<16xi32> to vector<16x1xi32>
    %gather3A_129 = vector.shape_cast %broadcast_in_dim3A_128 : vector<16x1xi32> to vector<16xi32>
    %gather3A_130 = tpu.dynamic_gather %add3A_74[%gather3A_129] in [0] : vector<16xi32>, vector<16xi32> -> vector<16xi32>
    %add3A_131 = arith.addi %add3A_74, %gather3A_130 : vector<16xi32>
    %add3A_132 = arith.constant 4 : i32
    %add3A_133 = vector.broadcast %add3A_132 : i32 to vector<16xi32>
    %add3A_134 = arith.addi %iota3A_121, %add3A_133 : vector<16xi32>
    %and3A_135 = arith.constant 15 : i32
    %and3A_136 = vector.broadcast %and3A_135 : i32 to vector<16xi32>
    %and3A_137 = arith.andi %add3A_134, %and3A_136 : vector<16xi32>
    %broadcast_in_dim3A_138 = vector.shape_cast %and3A_137 : vector<16xi32> to vector<16x1xi32>
    %gather3A_139 = vector.shape_cast %broadcast_in_dim3A_138 : vector<16x1xi32> to vector<16xi32>
    %gather3A_140 = tpu.dynamic_gather %add3A_131[%gather3A_139] in [0] : vector<16xi32>, vector<16xi32> -> vector<16xi32>
    %add3A_141 = arith.addi %add3A_131, %gather3A_140 : vector<16xi32>
    %add3A_142 = arith.constant 2 : i32
    %add3A_143 = vector.broadcast %add3A_142 : i32 to vector<16xi32>
    %add3A_144 = arith.addi %iota3A_121, %add3A_143 : vector<16xi32>
    %and3A_145 = arith.constant 15 : i32
    %and3A_146 = vector.broadcast %and3A_145 : i32 to vector<16xi32>
    %and3A_147 = arith.andi %add3A_144, %and3A_146 : vector<16xi32>
    %broadcast_in_dim3A_148 = vector.shape_cast %and3A_147 : vector<16xi32> to vector<16x1xi32>
    %gather3A_149 = vector.shape_cast %broadcast_in_dim3A_148 : vector<16x1xi32> to vector<16xi32>
    %gather3A_150 = tpu.dynamic_gather %add3A_141[%gather3A_149] in [0] : vector<16xi32>, vector<16xi32> -> vector<16xi32>
    %add3A_151 = arith.addi %add3A_141, %gather3A_150 : vector<16xi32>
    %add3A_152 = arith.constant 1 : i32
    %add3A_153 = vector.broadcast %add3A_152 : i32 to vector<16xi32>
    %add3A_154 = arith.addi %iota3A_121, %add3A_153 : vector<16xi32>
    %and3A_155 = arith.constant 15 : i32
    %and3A_156 = vector.broadcast %and3A_155 : i32 to vector<16xi32>
    %and3A_157 = arith.andi %add3A_154, %and3A_156 : vector<16xi32>
    %broadcast_in_dim3A_158 = vector.shape_cast %and3A_157 : vector<16xi32> to vector<16x1xi32>
    %gather3A_159 = vector.shape_cast %broadcast_in_dim3A_158 : vector<16x1xi32> to vector<16xi32>
    %gather3A_160 = tpu.dynamic_gather %add3A_151[%gather3A_159] in [0] : vector<16xi32>, vector<16xi32> -> vector<16xi32>
    %add3A_161 = arith.addi %add3A_151, %gather3A_160 : vector<16xi32>
    %slice3A_162 = vector.extract_strided_slice %add3A_161 {offsets = [0], sizes = [1], strides = [1]} : vector<16xi32> to vector<1xi32>
    %squeeze3A_163 = vector.extract %slice3A_162[0] : i32 from vector<1xi32>
    %convert_element_type3A = arith.sitofp %squeeze3A_163 : i32 to f32
    %iota3A_164 = tpu.iota {dimensions = array<i32: 0>} : vector<16xi32>
    %add3A_165 = arith.constant 8 : i32
    %add3A_166 = vector.broadcast %add3A_165 : i32 to vector<16xi32>
    %add3A_167 = arith.addi %iota3A_164, %add3A_166 : vector<16xi32>
    %and3A_168 = arith.constant 15 : i32
    %and3A_169 = vector.broadcast %and3A_168 : i32 to vector<16xi32>
    %and3A_170 = arith.andi %add3A_167, %and3A_169 : vector<16xi32>
    %broadcast_in_dim3A_171 = vector.shape_cast %and3A_170 : vector<16xi32> to vector<16x1xi32>
    %gather3A_172 = vector.shape_cast %broadcast_in_dim3A_171 : vector<16x1xi32> to vector<16xi32>
    %gather3A_173 = tpu.dynamic_gather %max3A_78[%gather3A_172] in [0] : vector<16xf32>, vector<16xi32> -> vector<16xf32>
    %max3A_174 = arith.maximumf %max3A_78, %gather3A_173 : vector<16xf32>
    %add3A_175 = arith.constant 4 : i32
    %add3A_176 = vector.broadcast %add3A_175 : i32 to vector<16xi32>
    %add3A_177 = arith.addi %iota3A_164, %add3A_176 : vector<16xi32>
    %and3A_178 = arith.constant 15 : i32
    %and3A_179 = vector.broadcast %and3A_178 : i32 to vector<16xi32>
    %and3A_180 = arith.andi %add3A_177, %and3A_179 : vector<16xi32>
    %broadcast_in_dim3A_181 = vector.shape_cast %and3A_180 : vector<16xi32> to vector<16x1xi32>
    %gather3A_182 = vector.shape_cast %broadcast_in_dim3A_181 : vector<16x1xi32> to vector<16xi32>
    %gather3A_183 = tpu.dynamic_gather %max3A_174[%gather3A_182] in [0] : vector<16xf32>, vector<16xi32> -> vector<16xf32>
    %max3A_184 = arith.maximumf %max3A_174, %gather3A_183 : vector<16xf32>
    %add3A_185 = arith.constant 2 : i32
    %add3A_186 = vector.broadcast %add3A_185 : i32 to vector<16xi32>
    %add3A_187 = arith.addi %iota3A_164, %add3A_186 : vector<16xi32>
    %and3A_188 = arith.constant 15 : i32
    %and3A_189 = vector.broadcast %and3A_188 : i32 to vector<16xi32>
    %and3A_190 = arith.andi %add3A_187, %and3A_189 : vector<16xi32>
    %broadcast_in_dim3A_191 = vector.shape_cast %and3A_190 : vector<16xi32> to vector<16x1xi32>
    %gather3A_192 = vector.shape_cast %broadcast_in_dim3A_191 : vector<16x1xi32> to vector<16xi32>
    %gather3A_193 = tpu.dynamic_gather %max3A_184[%gather3A_192] in [0] : vector<16xf32>, vector<16xi32> -> vector<16xf32>
    %max3A_194 = arith.maximumf %max3A_184, %gather3A_193 : vector<16xf32>
    %add3A_195 = arith.constant 1 : i32
    %add3A_196 = vector.broadcast %add3A_195 : i32 to vector<16xi32>
    %add3A_197 = arith.addi %iota3A_164, %add3A_196 : vector<16xi32>
    %and3A_198 = arith.constant 15 : i32
    %and3A_199 = vector.broadcast %and3A_198 : i32 to vector<16xi32>
    %and3A_200 = arith.andi %add3A_197, %and3A_199 : vector<16xi32>
    %broadcast_in_dim3A_201 = vector.shape_cast %and3A_200 : vector<16xi32> to vector<16x1xi32>
    %gather3A_202 = vector.shape_cast %broadcast_in_dim3A_201 : vector<16x1xi32> to vector<16xi32>
    %gather3A_203 = tpu.dynamic_gather %max3A_194[%gather3A_202] in [0] : vector<16xf32>, vector<16xi32> -> vector<16xf32>
    %max3A_204 = arith.maximumf %max3A_194, %gather3A_203 : vector<16xf32>
    %slice3A_205 = vector.extract_strided_slice %max3A_204 {offsets = [0], sizes = [1], strides = [1]} : vector<16xf32> to vector<1xf32>
    %squeeze3A_206 = vector.extract %slice3A_205[0] : f32 from vector<1xf32>
    %gt3A_207 = arith.cmpf ogt, %min3A_9, %convert_element_type3A : f32
    %sub3A = arith.subf %min3A_9, %convert_element_type3A : f32
    %mul3A_208 = arith.mulf %sub3A, %squeeze3A_206 : f32
    %jit3A_209 = arith.constant 0.000000e+00 : f32
    %select_n3A_210 = arith.select %gt3A_207, %mul3A_208, %jit3A_209 : f32
    %add3A_211 = arith.addf %squeeze3A_120, %select_n3A_210 : f32
    %eq3A = arith.constant 0 : i32
    %eq3A_212 = vector.broadcast %eq3A : i32 to vector<16xi32>
    %eq3A_213 = arith.cmpi eq, %iota3A, %eq3A_212 : vector<16xi32>
    %jit3A_214 = arith.constant 0.000000e+00 : f32
    %broadcast_in_dim3A_215 = vector.broadcast %add3A_211 : f32 to vector<16xf32>
    %broadcast_in_dim3A_216 = vector.broadcast %jit3A_214 : f32 to vector<16xf32>
    %select_n3A_217 = arith.select %eq3A_213, %broadcast_in_dim3A_215, %broadcast_in_dim3A_216 : vector<16xi1>, vector<16xf32>
    %eq3A_218 = arith.constant 1 : i32
    %eq3A_219 = vector.broadcast %eq3A_218 : i32 to vector<16xi32>
    %eq3A_220 = arith.cmpi eq, %iota3A, %eq3A_219 : vector<16xi32>
    %jit3A_221 = arith.constant 0.000000e+00 : f32
    %broadcast_in_dim3A_222 = vector.broadcast %squeeze3A : f32 to vector<16xf32>
    %broadcast_in_dim3A_223 = vector.broadcast %jit3A_221 : f32 to vector<16xf32>
    %select_n3A_224 = arith.select %eq3A_220, %broadcast_in_dim3A_222, %broadcast_in_dim3A_223 : vector<16xi1>, vector<16xf32>
    %add3A_225 = arith.addf %select_n3A_217, %select_n3A_224 : vector<16xf32>
    %eq3A_226 = arith.constant 2 : i32
    %eq3A_227 = vector.broadcast %eq3A_226 : i32 to vector<16xi32>
    %eq3A_228 = arith.cmpi eq, %iota3A, %eq3A_227 : vector<16xi32>
    %jit3A_229 = arith.constant 0.000000e+00 : f32
    %broadcast_in_dim3A_230 = vector.broadcast %squeeze3A_4 : f32 to vector<16xf32>
    %broadcast_in_dim3A_231 = vector.broadcast %jit3A_229 : f32 to vector<16xf32>
    %select_n3A_232 = arith.select %eq3A_228, %broadcast_in_dim3A_230, %broadcast_in_dim3A_231 : vector<16xi1>, vector<16xf32>
    %add3A_233 = arith.addf %add3A_225, %select_n3A_232 : vector<16xf32>
    %eq3A_234 = arith.constant 3 : i32
    %eq3A_235 = vector.broadcast %eq3A_234 : i32 to vector<16xi32>
    %eq3A_236 = arith.cmpi eq, %iota3A, %eq3A_235 : vector<16xi32>
    %jit3A_237 = arith.constant 0.000000e+00 : f32
    %broadcast_in_dim3A_238 = vector.broadcast %squeeze3A_6 : f32 to vector<16xf32>
    %broadcast_in_dim3A_239 = vector.broadcast %jit3A_237 : f32 to vector<16xf32>
    %select_n3A_240 = arith.select %eq3A_236, %broadcast_in_dim3A_238, %broadcast_in_dim3A_239 : vector<16xi1>, vector<16xf32>
    %add3A_241 = arith.addf %add3A_233, %select_n3A_240 : vector<16xf32>
    %swap3A = arith.constant 0 : index
    %swap3A_242 = tpu.vector_load %arg9[%swap3A] {strides = array<i32>} : memref<16xf32, #tpu.memory_space<vmem>>, vector<16xf32>,
    %swap3A_243 = vector.shape_cast %swap3A_242 : vector<16xf32> to vector<16xf32>
    %swap3A_244 = vector.shape_cast %add3A_241 : vector<16xf32> to vector<16xf32>
    tpu.vector_store %arg9[%swap3A], %swap3A_244 {strides = array<i32>} : memref<16xf32, #tpu.memory_space<vmem>>, vector<16xf32>,
    "tpu.region"() ({
      %run_scoped3A = tpu.sem_alloc : memref<!tpu.dma_semaphore, #tpu.memory_space<semaphore_mem>>
      %dma_start3A = arith.constant 0 : i32
      %dma_start3A_245 = tpu.memref_slice %arg5[%add3A, %dma_start3A] : memref<32x16xf32, #tpu.memory_space<hbm>> -> memref<1x16xf32, #tpu.memory_space<hbm>>
      %dma_start3A_246 = tpu.memref_squeeze %dma_start3A_245 : memref<1x16xf32, #tpu.memory_space<hbm>> -> memref<16xf32, #tpu.memory_space<hbm>>
      %dma_start3A_247 = arith.constant 0 : i32
      %dma_start3A_248 = tpu.memref_slice %arg5[%add3A, %dma_start3A_247] : memref<32x16xf32, #tpu.memory_space<hbm>> -> memref<1x16xf32, #tpu.memory_space<hbm>>
      %dma_start3A_249 = tpu.memref_squeeze %dma_start3A_248 : memref<1x16xf32, #tpu.memory_space<hbm>> -> memref<16xf32, #tpu.memory_space<hbm>>
      tpu.enqueue_dma source(%arg9 : memref<16xf32, #tpu.memory_space<vmem>>) target(%dma_start3A_249 : memref<16xf32, #tpu.memory_space<hbm>>) target_semaphore(%run_scoped3A : memref<!tpu.dma_semaphore, #tpu.memory_space<semaphore_mem>>)
      %dma_wait3A = arith.constant 0 : i32
      %dma_wait3A_250 = tpu.memref_slice %arg5[%add3A, %dma_wait3A] : memref<32x16xf32, #tpu.memory_space<hbm>> -> memref<1x16xf32, #tpu.memory_space<hbm>>
      %dma_wait3A_251 = tpu.memref_squeeze %dma_wait3A_250 : memref<1x16xf32, #tpu.memory_space<hbm>> -> memref<16xf32, #tpu.memory_space<hbm>>
      %dma_wait3A_252 = arith.constant 0 : i32
      %dma_wait3A_253 = tpu.memref_slice %arg5[%add3A, %dma_wait3A_252] : memref<32x16xf32, #tpu.memory_space<hbm>> -> memref<1x16xf32, #tpu.memory_space<hbm>>
      %dma_wait3A_254 = tpu.memref_squeeze %dma_wait3A_253 : memref<1x16xf32, #tpu.memory_space<hbm>> -> memref<16xf32, #tpu.memory_space<hbm>>
      tpu.wait_dma2 semaphore(%run_scoped3A : memref<!tpu.dma_semaphore, #tpu.memory_space<semaphore_mem>>) src(%arg9 : memref<16xf32, #tpu.memory_space<vmem>>) dst(%dma_wait3A_254 : memref<16xf32, #tpu.memory_space<hbm>>)
      tpu.yield
    }) : () -> ()
    return
  }
}

module attributes {stable_mosaic.version = 14 : i64} {
  func.func @_tc_body(%arg0: i32, %arg1: memref<1x21x8732xf32, #tpu.memory_space<vmem>>, %arg2: memref<1x4x8732xf32, #tpu.memory_space<vmem>>, %arg3: memref<1x16x5xf32, #tpu.memory_space<vmem>>, %arg4: memref<4x8732xf32, #tpu.memory_space<vmem>>, %arg5: memref<1x1x8736xf32, #tpu.memory_space<vmem>>, %arg6: memref<1x1x8736xi32, #tpu.memory_space<vmem>>, %arg7: memref<1x1x128xf32, #tpu.memory_space<vmem>>) attributes {dimension_semantics = [#tpu.dimension_semantics<arbitrary>], iteration_bounds = array<i64: 32>, scalar_prefetch = 0 : i64, scratch_operands = 0 : i64, tpu.core_type = #tpu.core_type<tc>, window_params = [{transform_indices = @transform_0, window_bounds = array<i64: 1, 21, 8732>}, {transform_indices = @transform_1, window_bounds = array<i64: 1, 4, 8732>}, {transform_indices = @transform_2, window_bounds = array<i64: 1, 16, 5>}, {pipeline_mode = #tpu.pipeline_mode<synchronous>, transform_indices = @transform_3, window_bounds = array<i64: 4, 8732>}, {transform_indices = @transform_4, window_bounds = array<i64: 1, 1, 8736>}, {transform_indices = @transform_5, window_bounds = array<i64: 1, 1, 8736>}, {transform_indices = @transform_6, window_bounds = array<i64: 1, 1, 128>}]} {
    %get3A = arith.constant 0 : index
    %get3A_0 = arith.constant 0 : index
    %get3A_1 = arith.constant 0 : index
    %get3A_2 = vector.load %arg3[%get3A, %get3A_0, %get3A_1] : memref<1x16x5xf32, #tpu.memory_space<vmem>>, vector<1x16x5xf32>
    %get3A_3 = vector.shape_cast %get3A_2 : vector<1x16x5xf32> to vector<16x5xf32>
    %slice3A = vector.extract_strided_slice %get3A_3 {offsets = [0, 0], sizes = [16, 1], strides = [1, 1]} : vector<16x5xf32> to vector<16x1xf32>
    %slice3A_4 = vector.extract_strided_slice %get3A_3 {offsets = [0, 1], sizes = [16, 1], strides = [1, 1]} : vector<16x5xf32> to vector<16x1xf32>
    %slice3A_5 = vector.extract_strided_slice %get3A_3 {offsets = [0, 2], sizes = [16, 1], strides = [1, 1]} : vector<16x5xf32> to vector<16x1xf32>
    %slice3A_6 = vector.extract_strided_slice %get3A_3 {offsets = [0, 3], sizes = [16, 1], strides = [1, 1]} : vector<16x5xf32> to vector<16x1xf32>
    %get3A_7 = arith.constant 0 : index
    %get3A_8 = arith.constant 0 : index
    %get3A_9 = vector.load %arg4[%get3A_7, %get3A_8] : memref<4x8732xf32, #tpu.memory_space<vmem>>, vector<1x8732xf32>
    %get3A_10 = arith.constant 1 : index
    %get3A_11 = arith.constant 0 : index
    %get3A_12 = vector.load %arg4[%get3A_10, %get3A_11] : memref<4x8732xf32, #tpu.memory_space<vmem>>, vector<1x8732xf32>
    %get3A_13 = arith.constant 2 : index
    %get3A_14 = arith.constant 0 : index
    %get3A_15 = vector.load %arg4[%get3A_13, %get3A_14] : memref<4x8732xf32, #tpu.memory_space<vmem>>, vector<1x8732xf32>
    %get3A_16 = arith.constant 3 : index
    %get3A_17 = arith.constant 0 : index
    %get3A_18 = vector.load %arg4[%get3A_16, %get3A_17] : memref<4x8732xf32, #tpu.memory_space<vmem>>, vector<1x8732xf32>
    %div3A = arith.constant 2.000000e+00 : f32
    %div3A_19 = vector.broadcast %div3A : f32 to vector<1x8732xf32>
    %div3A_20 = arith.divf %get3A_15, %div3A_19 : vector<1x8732xf32>
    %sub3A = arith.subf %get3A_9, %div3A_20 : vector<1x8732xf32>
    %div3A_21 = arith.constant 2.000000e+00 : f32
    %div3A_22 = vector.broadcast %div3A_21 : f32 to vector<1x8732xf32>
    %div3A_23 = arith.divf %get3A_18, %div3A_22 : vector<1x8732xf32>
    %sub3A_24 = arith.subf %get3A_12, %div3A_23 : vector<1x8732xf32>
    %div3A_25 = arith.constant 2.000000e+00 : f32
    %div3A_26 = vector.broadcast %div3A_25 : f32 to vector<1x8732xf32>
    %div3A_27 = arith.divf %get3A_15, %div3A_26 : vector<1x8732xf32>
    %add3A = arith.addf %get3A_9, %div3A_27 : vector<1x8732xf32>
    %div3A_28 = arith.constant 2.000000e+00 : f32
    %div3A_29 = vector.broadcast %div3A_28 : f32 to vector<1x8732xf32>
    %div3A_30 = arith.divf %get3A_18, %div3A_29 : vector<1x8732xf32>
    %add3A_31 = arith.addf %get3A_12, %div3A_30 : vector<1x8732xf32>
    %min3A = vector.broadcast %slice3A_5 : vector<16x1xf32> to vector<16x8732xf32>
    %min3A_32 = vector.broadcast %add3A : vector<1x8732xf32> to vector<16x8732xf32>
    %min3A_33 = arith.minimumf %min3A, %min3A_32 : vector<16x8732xf32>
    %max3A = vector.broadcast %slice3A : vector<16x1xf32> to vector<16x8732xf32>
    %max3A_34 = vector.broadcast %sub3A : vector<1x8732xf32> to vector<16x8732xf32>
    %max3A_35 = arith.maximumf %max3A, %max3A_34 : vector<16x8732xf32>
    %sub3A_36 = arith.subf %min3A_33, %max3A_35 : vector<16x8732xf32>
    %jit3A = arith.constant 0.000000e+00 : f32
    %max3A_37 = vector.broadcast %jit3A : f32 to vector<16x8732xf32>
    %max3A_38 = arith.maximumf %max3A_37, %sub3A_36 : vector<16x8732xf32>
    %min3A_39 = vector.broadcast %slice3A_6 : vector<16x1xf32> to vector<16x8732xf32>
    %min3A_40 = vector.broadcast %add3A_31 : vector<1x8732xf32> to vector<16x8732xf32>
    %min3A_41 = arith.minimumf %min3A_39, %min3A_40 : vector<16x8732xf32>
    %max3A_42 = vector.broadcast %slice3A_4 : vector<16x1xf32> to vector<16x8732xf32>
    %max3A_43 = vector.broadcast %sub3A_24 : vector<1x8732xf32> to vector<16x8732xf32>
    %max3A_44 = arith.maximumf %max3A_42, %max3A_43 : vector<16x8732xf32>
    %sub3A_45 = arith.subf %min3A_41, %max3A_44 : vector<16x8732xf32>
    %jit3A_46 = arith.constant 0.000000e+00 : f32
    %max3A_47 = vector.broadcast %jit3A_46 : f32 to vector<16x8732xf32>
    %max3A_48 = arith.maximumf %max3A_47, %sub3A_45 : vector<16x8732xf32>
    %mul3A = arith.mulf %max3A_38, %max3A_48 : vector<16x8732xf32>
    %sub3A_49 = arith.subf %slice3A_5, %slice3A : vector<16x1xf32>
    %sub3A_50 = arith.subf %slice3A_6, %slice3A_4 : vector<16x1xf32>
    %mul3A_51 = arith.mulf %sub3A_49, %sub3A_50 : vector<16x1xf32>
    %sub3A_52 = arith.subf %add3A, %sub3A : vector<1x8732xf32>
    %sub3A_53 = arith.subf %add3A_31, %sub3A_24 : vector<1x8732xf32>
    %mul3A_54 = arith.mulf %sub3A_52, %sub3A_53 : vector<1x8732xf32>
    %add3A_55 = vector.broadcast %mul3A_51 : vector<16x1xf32> to vector<16x8732xf32>
    %add3A_56 = vector.broadcast %mul3A_54 : vector<1x8732xf32> to vector<16x8732xf32>
    %add3A_57 = arith.addf %add3A_55, %add3A_56 : vector<16x8732xf32>
    %sub3A_58 = arith.subf %add3A_57, %mul3A : vector<16x8732xf32>
    %div3A_59 = arith.divf %mul3A, %sub3A_58 : vector<16x8732xf32>
    %iota3A = tpu.iota {dimensions = array<i32: 0>} : vector<16x8732xi32>
    %iota3A_60 = tpu.iota {dimensions = array<i32: 1>} : vector<16x8732xi32>
    %reduce_max3A = arith.constant dense<0xFF800000> : vector<8732xf32>
    %reduce_max3A_61 = vector.multi_reduction <maximumf>, %div3A_59, %reduce_max3A [0] : vector<16x8732xf32> to vector<8732xf32>
    %broadcast_in_dim3A = vector.shape_cast %reduce_max3A_61 : vector<8732xf32> to vector<1x8732xf32>
    %eq3A = vector.broadcast %broadcast_in_dim3A : vector<1x8732xf32> to vector<16x8732xf32>
    %eq3A_62 = arith.cmpf oeq, %div3A_59, %eq3A : vector<16x8732xf32>
    %jit3A_63 = arith.constant 16 : i32
    %broadcast_in_dim3A_64 = vector.broadcast %jit3A_63 : i32 to vector<16x8732xi32>
    %select_n3A = arith.select %eq3A_62, %iota3A, %broadcast_in_dim3A_64 : vector<16x8732xi1>, vector<16x8732xi32>
    %reduce_min3A = arith.constant dense<2147483647> : vector<8732xi32>
    %reduce_min3A_65 = vector.multi_reduction <minsi>, %select_n3A, %reduce_min3A [0] : vector<16x8732xi32> to vector<8732xi32>
    %broadcast_in_dim3A_66 = vector.shape_cast %reduce_min3A_65 : vector<8732xi32> to vector<1x8732xi32>
    %reduce_max3A_67 = arith.constant dense<0xFF800000> : vector<16xf32>
    %reduce_max3A_68 = vector.multi_reduction <maximumf>, %div3A_59, %reduce_max3A_67 [1] : vector<16x8732xf32> to vector<16xf32>
    %broadcast_in_dim3A_69 = vector.shape_cast %reduce_max3A_68 : vector<16xf32> to vector<16x1xf32>
    %eq3A_70 = vector.broadcast %broadcast_in_dim3A_69 : vector<16x1xf32> to vector<16x8732xf32>
    %eq3A_71 = arith.cmpf oeq, %div3A_59, %eq3A_70 : vector<16x8732xf32>
    %jit3A_72 = arith.constant 8732 : i32
    %broadcast_in_dim3A_73 = vector.broadcast %jit3A_72 : i32 to vector<16x8732xi32>
    %select_n3A_74 = arith.select %eq3A_71, %iota3A_60, %broadcast_in_dim3A_73 : vector<16x8732xi1>, vector<16x8732xi32>
    %reduce_min3A_75 = arith.constant dense<2147483647> : vector<16xi32>
    %reduce_min3A_76 = vector.multi_reduction <minsi>, %select_n3A_74, %reduce_min3A_75 [1] : vector<16x8732xi32> to vector<16xi32>
    %broadcast_in_dim3A_77 = vector.shape_cast %reduce_min3A_76 : vector<16xi32> to vector<16x1xi32>
    %eq3A_78 = vector.broadcast %broadcast_in_dim3A_77 : vector<16x1xi32> to vector<16x8732xi32>
    %eq3A_79 = arith.cmpi eq, %eq3A_78, %iota3A_60 : vector<16x8732xi32>
    %jit3A_80 = arith.constant -1 : i32
    %broadcast_in_dim3A_81 = vector.broadcast %jit3A_80 : i32 to vector<16x8732xi32>
    %select_n3A_82 = arith.select %eq3A_79, %iota3A, %broadcast_in_dim3A_81 : vector<16x8732xi1>, vector<16x8732xi32>
    %reduce_max3A_83 = arith.constant dense<-2147483648> : vector<8732xi32>
    %reduce_max3A_84 = vector.multi_reduction <maxsi>, %select_n3A_82, %reduce_max3A_83 [0] : vector<16x8732xi32> to vector<8732xi32>
    %broadcast_in_dim3A_85 = vector.shape_cast %reduce_max3A_84 : vector<8732xi32> to vector<1x8732xi32>
    %ge3A = arith.constant 0 : i32
    %ge3A_86 = vector.broadcast %ge3A : i32 to vector<1x8732xi32>
    %ge3A_87 = arith.cmpi sge, %broadcast_in_dim3A_85, %ge3A_86 : vector<1x8732xi32>
    %select_n3A_88 = arith.select %ge3A_87, %broadcast_in_dim3A_85, %broadcast_in_dim3A_66 : vector<1x8732xi1>, vector<1x8732xi32>
    %jit3A_89 = arith.constant 2.000000e+00 : f32
    %broadcast_in_dim3A_90 = vector.broadcast %jit3A_89 : f32 to vector<1x8732xf32>
    %select_n3A_91 = arith.select %ge3A_87, %broadcast_in_dim3A_90, %broadcast_in_dim3A : vector<1x8732xi1>, vector<1x8732xf32>
    %eq3A_92 = vector.broadcast %select_n3A_88 : vector<1x8732xi32> to vector<16x8732xi32>
    %eq3A_93 = arith.cmpi eq, %iota3A, %eq3A_92 : vector<16x8732xi32>
    %convert_element_type3A = arith.extui %eq3A_93 : vector<16x8732xi1> to vector<16x8732xi32>
    %convert_element_type3A_94 = arith.sitofp %convert_element_type3A : vector<16x8732xi32> to vector<16x8732xf32>
    %dot_general3A = arith.constant dense<0.000000e+00> : vector<5x8732xf32>
    %dot_general3A_95 = tpu.matmul %get3A_3, %convert_element_type3A_94, %dot_general3A {dimension_numbers = #tpu.dot_dimension_numbers<[0], [0], [1], [1], [0, 1, 1, 1], [], []>, precision = #tpu.contract_precision<fp32>, transpose_lhs_hint = false} : vector<16x5xf32>, vector<16x8732xf32>, vector<5x8732xf32> -> vector<5x8732xf32>
    %slice3A_96 = vector.extract_strided_slice %dot_general3A_95 {offsets = [0, 0], sizes = [1, 8732], strides = [1, 1]} : vector<5x8732xf32> to vector<1x8732xf32>
    %slice3A_97 = vector.extract_strided_slice %dot_general3A_95 {offsets = [1, 0], sizes = [1, 8732], strides = [1, 1]} : vector<5x8732xf32> to vector<1x8732xf32>
    %slice3A_98 = vector.extract_strided_slice %dot_general3A_95 {offsets = [2, 0], sizes = [1, 8732], strides = [1, 1]} : vector<5x8732xf32> to vector<1x8732xf32>
    %slice3A_99 = vector.extract_strided_slice %dot_general3A_95 {offsets = [3, 0], sizes = [1, 8732], strides = [1, 1]} : vector<5x8732xf32> to vector<1x8732xf32>
    %slice3A_100 = vector.extract_strided_slice %dot_general3A_95 {offsets = [4, 0], sizes = [1, 8732], strides = [1, 1]} : vector<5x8732xf32> to vector<1x8732xf32>
    %lt3A = arith.constant 5.000000e-01 : f32
    %lt3A_101 = vector.broadcast %lt3A : f32 to vector<1x8732xf32>
    %lt3A_102 = arith.cmpf olt, %select_n3A_91, %lt3A_101 : vector<1x8732xf32>
    %jit3A_103 = arith.constant 0.000000e+00 : f32
    %broadcast_in_dim3A_104 = vector.broadcast %jit3A_103 : f32 to vector<1x8732xf32>
    %select_n3A_105 = arith.select %lt3A_102, %broadcast_in_dim3A_104, %slice3A_100 : vector<1x8732xi1>, vector<1x8732xf32>
    %convert_element_type3A_106 = arith.fptosi %select_n3A_105 : vector<1x8732xf32> to vector<1x8732xi32>
    %gt3A = arith.constant 0 : i32
    %gt3A_107 = vector.broadcast %gt3A : i32 to vector<1x8732xi32>
    %gt3A_108 = arith.cmpi sgt, %convert_element_type3A_106, %gt3A_107 : vector<1x8732xi32>
    %add3A_109 = arith.addf %slice3A_96, %slice3A_98 : vector<1x8732xf32>
    %div3A_110 = arith.constant 2.000000e+00 : f32
    %div3A_111 = vector.broadcast %div3A_110 : f32 to vector<1x8732xf32>
    %div3A_112 = arith.divf %add3A_109, %div3A_111 : vector<1x8732xf32>
    %sub3A_113 = arith.subf %div3A_112, %get3A_9 : vector<1x8732xf32>
    %mul3A_114 = arith.constant 1.000000e-01 : f32
    %mul3A_115 = vector.broadcast %mul3A_114 : f32 to vector<1x8732xf32>
    %mul3A_116 = arith.mulf %mul3A_115, %get3A_15 : vector<1x8732xf32>
    %div3A_117 = arith.divf %sub3A_113, %mul3A_116 : vector<1x8732xf32>
    %add3A_118 = arith.addf %slice3A_97, %slice3A_99 : vector<1x8732xf32>
    %div3A_119 = arith.constant 2.000000e+00 : f32
    %div3A_120 = vector.broadcast %div3A_119 : f32 to vector<1x8732xf32>
    %div3A_121 = arith.divf %add3A_118, %div3A_120 : vector<1x8732xf32>
    %sub3A_122 = arith.subf %div3A_121, %get3A_12 : vector<1x8732xf32>
    %mul3A_123 = arith.constant 1.000000e-01 : f32
    %mul3A_124 = vector.broadcast %mul3A_123 : f32 to vector<1x8732xf32>
    %mul3A_125 = arith.mulf %mul3A_124, %get3A_18 : vector<1x8732xf32>
    %div3A_126 = arith.divf %sub3A_122, %mul3A_125 : vector<1x8732xf32>
    %sub3A_127 = arith.subf %slice3A_98, %slice3A_96 : vector<1x8732xf32>
    %div3A_128 = arith.divf %sub3A_127, %get3A_15 : vector<1x8732xf32>
    %add3A_129 = arith.constant 9.99999993E-9 : f32
    %add3A_130 = vector.broadcast %add3A_129 : f32 to vector<1x8732xf32>
    %add3A_131 = arith.addf %div3A_128, %add3A_130 : vector<1x8732xf32>
    %log3A = math.log %add3A_131 : vector<1x8732xf32>
    %div3A_132 = arith.constant 2.000000e-01 : f32
    %div3A_133 = vector.broadcast %div3A_132 : f32 to vector<1x8732xf32>
    %div3A_134 = arith.divf %log3A, %div3A_133 : vector<1x8732xf32>
    %sub3A_135 = arith.subf %slice3A_99, %slice3A_97 : vector<1x8732xf32>
    %div3A_136 = arith.divf %sub3A_135, %get3A_18 : vector<1x8732xf32>
    %add3A_137 = arith.constant 9.99999993E-9 : f32
    %add3A_138 = vector.broadcast %add3A_137 : f32 to vector<1x8732xf32>
    %add3A_139 = arith.addf %div3A_136, %add3A_138 : vector<1x8732xf32>
    %log3A_140 = math.log %add3A_139 : vector<1x8732xf32>
    %div3A_141 = arith.constant 2.000000e-01 : f32
    %div3A_142 = vector.broadcast %div3A_141 : f32 to vector<1x8732xf32>
    %div3A_143 = arith.divf %log3A_140, %div3A_142 : vector<1x8732xf32>
    %get3A_144 = arith.constant 0 : index
    %get3A_145 = arith.constant 0 : index
    %get3A_146 = arith.constant 0 : index
    %get3A_147 = vector.load %arg2[%get3A_144, %get3A_145, %get3A_146] : memref<1x4x8732xf32, #tpu.memory_space<vmem>>, vector<1x4x8732xf32>
    %get3A_148 = vector.shape_cast %get3A_147 : vector<1x4x8732xf32> to vector<4x8732xf32>
    %convert_element_type3A_149 = arith.extui %gt3A_108 : vector<1x8732xi1> to vector<1x8732xi32>
    %convert_element_type3A_150 = arith.sitofp %convert_element_type3A_149 : vector<1x8732xi32> to vector<1x8732xf32>
    %slice3A_151 = vector.extract_strided_slice %get3A_148 {offsets = [0, 0], sizes = [1, 8732], strides = [1, 1]} : vector<4x8732xf32> to vector<1x8732xf32>
    %sub3A_152 = arith.subf %slice3A_151, %div3A_117 : vector<1x8732xf32>
    %abs3A = math.absf %sub3A_152 : vector<1x8732xf32>
    %lt3A_153 = arith.constant 1.000000e+00 : f32
    %lt3A_154 = vector.broadcast %lt3A_153 : f32 to vector<1x8732xf32>
    %lt3A_155 = arith.cmpf olt, %abs3A, %lt3A_154 : vector<1x8732xf32>
    %mul3A_156 = arith.constant 5.000000e-01 : f32
    %mul3A_157 = vector.broadcast %mul3A_156 : f32 to vector<1x8732xf32>
    %mul3A_158 = arith.mulf %mul3A_157, %abs3A : vector<1x8732xf32>
    %mul3A_159 = arith.mulf %mul3A_158, %abs3A : vector<1x8732xf32>
    %sub3A_160 = arith.constant 5.000000e-01 : f32
    %sub3A_161 = vector.broadcast %sub3A_160 : f32 to vector<1x8732xf32>
    %sub3A_162 = arith.subf %abs3A, %sub3A_161 : vector<1x8732xf32>
    %select_n3A_163 = arith.select %lt3A_155, %mul3A_159, %sub3A_162 : vector<1x8732xi1>, vector<1x8732xf32>
    %slice3A_164 = vector.extract_strided_slice %get3A_148 {offsets = [1, 0], sizes = [1, 8732], strides = [1, 1]} : vector<4x8732xf32> to vector<1x8732xf32>
    %sub3A_165 = arith.subf %slice3A_164, %div3A_126 : vector<1x8732xf32>
    %abs3A_166 = math.absf %sub3A_165 : vector<1x8732xf32>
    %lt3A_167 = arith.constant 1.000000e+00 : f32
    %lt3A_168 = vector.broadcast %lt3A_167 : f32 to vector<1x8732xf32>
    %lt3A_169 = arith.cmpf olt, %abs3A_166, %lt3A_168 : vector<1x8732xf32>
    %mul3A_170 = arith.constant 5.000000e-01 : f32
    %mul3A_171 = vector.broadcast %mul3A_170 : f32 to vector<1x8732xf32>
    %mul3A_172 = arith.mulf %mul3A_171, %abs3A_166 : vector<1x8732xf32>
    %mul3A_173 = arith.mulf %mul3A_172, %abs3A_166 : vector<1x8732xf32>
    %sub3A_174 = arith.constant 5.000000e-01 : f32
    %sub3A_175 = vector.broadcast %sub3A_174 : f32 to vector<1x8732xf32>
    %sub3A_176 = arith.subf %abs3A_166, %sub3A_175 : vector<1x8732xf32>
    %select_n3A_177 = arith.select %lt3A_169, %mul3A_173, %sub3A_176 : vector<1x8732xi1>, vector<1x8732xf32>
    %add3A_178 = arith.addf %select_n3A_163, %select_n3A_177 : vector<1x8732xf32>
    %slice3A_179 = vector.extract_strided_slice %get3A_148 {offsets = [2, 0], sizes = [1, 8732], strides = [1, 1]} : vector<4x8732xf32> to vector<1x8732xf32>
    %sub3A_180 = arith.subf %slice3A_179, %div3A_134 : vector<1x8732xf32>
    %abs3A_181 = math.absf %sub3A_180 : vector<1x8732xf32>
    %lt3A_182 = arith.constant 1.000000e+00 : f32
    %lt3A_183 = vector.broadcast %lt3A_182 : f32 to vector<1x8732xf32>
    %lt3A_184 = arith.cmpf olt, %abs3A_181, %lt3A_183 : vector<1x8732xf32>
    %mul3A_185 = arith.constant 5.000000e-01 : f32
    %mul3A_186 = vector.broadcast %mul3A_185 : f32 to vector<1x8732xf32>
    %mul3A_187 = arith.mulf %mul3A_186, %abs3A_181 : vector<1x8732xf32>
    %mul3A_188 = arith.mulf %mul3A_187, %abs3A_181 : vector<1x8732xf32>
    %sub3A_189 = arith.constant 5.000000e-01 : f32
    %sub3A_190 = vector.broadcast %sub3A_189 : f32 to vector<1x8732xf32>
    %sub3A_191 = arith.subf %abs3A_181, %sub3A_190 : vector<1x8732xf32>
    %select_n3A_192 = arith.select %lt3A_184, %mul3A_188, %sub3A_191 : vector<1x8732xi1>, vector<1x8732xf32>
    %add3A_193 = arith.addf %add3A_178, %select_n3A_192 : vector<1x8732xf32>
    %slice3A_194 = vector.extract_strided_slice %get3A_148 {offsets = [3, 0], sizes = [1, 8732], strides = [1, 1]} : vector<4x8732xf32> to vector<1x8732xf32>
    %sub3A_195 = arith.subf %slice3A_194, %div3A_143 : vector<1x8732xf32>
    %abs3A_196 = math.absf %sub3A_195 : vector<1x8732xf32>
    %lt3A_197 = arith.constant 1.000000e+00 : f32
    %lt3A_198 = vector.broadcast %lt3A_197 : f32 to vector<1x8732xf32>
    %lt3A_199 = arith.cmpf olt, %abs3A_196, %lt3A_198 : vector<1x8732xf32>
    %mul3A_200 = arith.constant 5.000000e-01 : f32
    %mul3A_201 = vector.broadcast %mul3A_200 : f32 to vector<1x8732xf32>
    %mul3A_202 = arith.mulf %mul3A_201, %abs3A_196 : vector<1x8732xf32>
    %mul3A_203 = arith.mulf %mul3A_202, %abs3A_196 : vector<1x8732xf32>
    %sub3A_204 = arith.constant 5.000000e-01 : f32
    %sub3A_205 = vector.broadcast %sub3A_204 : f32 to vector<1x8732xf32>
    %sub3A_206 = arith.subf %abs3A_196, %sub3A_205 : vector<1x8732xf32>
    %select_n3A_207 = arith.select %lt3A_199, %mul3A_203, %sub3A_206 : vector<1x8732xi1>, vector<1x8732xf32>
    %add3A_208 = arith.addf %add3A_193, %select_n3A_207 : vector<1x8732xf32>
    %mul3A_209 = arith.mulf %add3A_208, %convert_element_type3A_150 : vector<1x8732xf32>
    %reduce_sum3A = vector.shape_cast %mul3A_209 : vector<1x8732xf32> to vector<1x1x8732xf32>
    %reduce_sum3A_210 = arith.constant dense<0.000000e+00> : vector<1xf32>
    %reduce_sum3A_211 = vector.multi_reduction <add>, %reduce_sum3A, %reduce_sum3A_210 [1, 2] : vector<1x1x8732xf32> to vector<1xf32>
    %reduce_sum3A_212 = vector.shape_cast %reduce_sum3A_211 : vector<1xf32> to vector<1x1x1xf32>
    %reduce_sum3A_213 = vector.extract %reduce_sum3A_212[0, 0, 0] : f32 from vector<1x1x1xf32>
    %get3A_214 = arith.constant 0 : index
    %get3A_215 = arith.constant 0 : index
    %get3A_216 = arith.constant 0 : index
    %get3A_217 = vector.load %arg1[%get3A_214, %get3A_215, %get3A_216] : memref<1x21x8732xf32, #tpu.memory_space<vmem>>, vector<1x21x8732xf32>
    %get3A_218 = vector.shape_cast %get3A_217 : vector<1x21x8732xf32> to vector<21x8732xf32>
    %reduce_max3A_219 = arith.constant dense<0xFF800000> : vector<8732xf32>
    %reduce_max3A_220 = vector.multi_reduction <maximumf>, %get3A_218, %reduce_max3A_219 [0] : vector<21x8732xf32> to vector<8732xf32>
    %broadcast_in_dim3A_221 = vector.shape_cast %reduce_max3A_220 : vector<8732xf32> to vector<1x8732xf32>
    %sub3A_222 = vector.broadcast %broadcast_in_dim3A_221 : vector<1x8732xf32> to vector<21x8732xf32>
    %sub3A_223 = arith.subf %get3A_218, %sub3A_222 : vector<21x8732xf32>
    %exp3A = math.exp %sub3A_223 : vector<21x8732xf32>
    %reduce_sum3A_224 = arith.constant dense<0.000000e+00> : vector<8732xf32>
    %reduce_sum3A_225 = vector.multi_reduction <add>, %exp3A, %reduce_sum3A_224 [0] : vector<21x8732xf32> to vector<8732xf32>
    %broadcast_in_dim3A_226 = vector.shape_cast %reduce_sum3A_225 : vector<8732xf32> to vector<1x8732xf32>
    %log3A_227 = math.log %broadcast_in_dim3A_226 : vector<1x8732xf32>
    %add3A_228 = arith.addf %broadcast_in_dim3A_221, %log3A_227 : vector<1x8732xf32>
    %iota3A_229 = tpu.iota {dimensions = array<i32: 0>} : vector<21x8732xi32>
    %eq3A_230 = vector.broadcast %convert_element_type3A_106 : vector<1x8732xi32> to vector<21x8732xi32>
    %eq3A_231 = arith.cmpi eq, %iota3A_229, %eq3A_230 : vector<21x8732xi32>
    %jit3A_232 = arith.constant 0.000000e+00 : f32
    %broadcast_in_dim3A_233 = vector.broadcast %jit3A_232 : f32 to vector<21x8732xf32>
    %select_n3A_234 = arith.select %eq3A_231, %get3A_218, %broadcast_in_dim3A_233 : vector<21x8732xi1>, vector<21x8732xf32>
    %reduce_sum3A_235 = arith.constant dense<0.000000e+00> : vector<8732xf32>
    %reduce_sum3A_236 = vector.multi_reduction <add>, %select_n3A_234, %reduce_sum3A_235 [0] : vector<21x8732xf32> to vector<8732xf32>
    %broadcast_in_dim3A_237 = vector.shape_cast %reduce_sum3A_236 : vector<8732xf32> to vector<1x8732xf32>
    %sub3A_238 = arith.subf %add3A_228, %broadcast_in_dim3A_237 : vector<1x8732xf32>
    %reduce_sum3A_239 = vector.shape_cast %convert_element_type3A_150 : vector<1x8732xf32> to vector<1x1x8732xf32>
    %reduce_sum3A_240 = arith.constant dense<0.000000e+00> : vector<1xf32>
    %reduce_sum3A_241 = vector.multi_reduction <add>, %reduce_sum3A_239, %reduce_sum3A_240 [1, 2] : vector<1x1x8732xf32> to vector<1xf32>
    %reduce_sum3A_242 = vector.shape_cast %reduce_sum3A_241 : vector<1xf32> to vector<1x1x1xf32>
    %reduce_sum3A_243 = vector.extract %reduce_sum3A_242[0, 0, 0] : f32 from vector<1x1x1xf32>
    %mul3A_244 = arith.mulf %sub3A_238, %convert_element_type3A_150 : vector<1x8732xf32>
    %reduce_sum3A_245 = vector.shape_cast %mul3A_244 : vector<1x8732xf32> to vector<1x1x8732xf32>
    %reduce_sum3A_246 = arith.constant dense<0.000000e+00> : vector<1xf32>
    %reduce_sum3A_247 = vector.multi_reduction <add>, %reduce_sum3A_245, %reduce_sum3A_246 [1, 2] : vector<1x1x8732xf32> to vector<1xf32>
    %reduce_sum3A_248 = vector.shape_cast %reduce_sum3A_247 : vector<1xf32> to vector<1x1x1xf32>
    %reduce_sum3A_249 = vector.extract %reduce_sum3A_248[0, 0, 0] : f32 from vector<1x1x1xf32>
    %jit3A_250 = arith.constant 0.000000e+00 : f32
    %broadcast_in_dim3A_251 = vector.broadcast %jit3A_250 : f32 to vector<1x8732xf32>
    %select_n3A_252 = arith.select %gt3A_108, %broadcast_in_dim3A_251, %sub3A_238 : vector<1x8732xi1>, vector<1x8732xf32>
    %broadcast_in_dim3A_253 = arith.constant 0.000000e+00 : f32
    %broadcast_in_dim3A_254 = vector.broadcast %broadcast_in_dim3A_253 : f32 to vector<1x4xf32>
    %concatenate3A = tpu.concatenate %select_n3A_252, %broadcast_in_dim3A_254 in 1 : vector<1x8732xf32>, vector<1x4xf32> -> vector<1x8736xf32>
    %reshape3A = vector.shape_cast %concatenate3A : vector<1x8736xf32> to vector<1x1x8736xf32>
    %swap3A = arith.constant 0 : index
    %swap3A_255 = arith.constant 0 : index
    %swap3A_256 = arith.constant 0 : index
    %swap3A_257 = vector.load %arg5[%swap3A, %swap3A_255, %swap3A_256] : memref<1x1x8736xf32, #tpu.memory_space<vmem>>, vector<1x1x8736xf32>
    tpu.vector_store %arg5[%swap3A, %swap3A_255, %swap3A_256], %reshape3A {strides = array<i32>} : memref<1x1x8736xf32, #tpu.memory_space<vmem>>, vector<1x1x8736xf32>,
    %bitcast_convert_type3A = tpu.bitcast %concatenate3A : vector<1x8736xf32> -> vector<1x8736xi32>
    %reshape3A_258 = vector.shape_cast %bitcast_convert_type3A : vector<1x8736xi32> to vector<1x1x8736xi32>
    %swap3A_259 = arith.constant 0 : index
    %swap3A_260 = arith.constant 0 : index
    %swap3A_261 = arith.constant 0 : index
    %swap3A_262 = vector.load %arg6[%swap3A_259, %swap3A_260, %swap3A_261] : memref<1x1x8736xi32, #tpu.memory_space<vmem>>, vector<1x1x8736xi32>
    tpu.vector_store %arg6[%swap3A_259, %swap3A_260, %swap3A_261], %reshape3A_258 {strides = array<i32>} : memref<1x1x8736xi32, #tpu.memory_space<vmem>>, vector<1x1x8736xi32>,
    %iota3A_263 = tpu.iota {dimensions = array<i32: 1>} : vector<1x128xi32>
    %eq3A_264 = arith.constant 0 : i32
    %eq3A_265 = vector.broadcast %eq3A_264 : i32 to vector<1x128xi32>
    %eq3A_266 = arith.cmpi eq, %iota3A_263, %eq3A_265 : vector<1x128xi32>
    %jit3A_267 = arith.constant 0.000000e+00 : f32
    %broadcast_in_dim3A_268 = vector.broadcast %reduce_sum3A_243 : f32 to vector<1x128xf32>
    %broadcast_in_dim3A_269 = vector.broadcast %jit3A_267 : f32 to vector<1x128xf32>
    %select_n3A_270 = arith.select %eq3A_266, %broadcast_in_dim3A_268, %broadcast_in_dim3A_269 : vector<1x128xi1>, vector<1x128xf32>
    %eq3A_271 = arith.constant 1 : i32
    %eq3A_272 = vector.broadcast %eq3A_271 : i32 to vector<1x128xi32>
    %eq3A_273 = arith.cmpi eq, %iota3A_263, %eq3A_272 : vector<1x128xi32>
    %jit3A_274 = arith.constant 0.000000e+00 : f32
    %broadcast_in_dim3A_275 = vector.broadcast %reduce_sum3A_213 : f32 to vector<1x128xf32>
    %broadcast_in_dim3A_276 = vector.broadcast %jit3A_274 : f32 to vector<1x128xf32>
    %select_n3A_277 = arith.select %eq3A_273, %broadcast_in_dim3A_275, %broadcast_in_dim3A_276 : vector<1x128xi1>, vector<1x128xf32>
    %add3A_278 = arith.addf %select_n3A_270, %select_n3A_277 : vector<1x128xf32>
    %eq3A_279 = arith.constant 2 : i32
    %eq3A_280 = vector.broadcast %eq3A_279 : i32 to vector<1x128xi32>
    %eq3A_281 = arith.cmpi eq, %iota3A_263, %eq3A_280 : vector<1x128xi32>
    %jit3A_282 = arith.constant 0.000000e+00 : f32
    %broadcast_in_dim3A_283 = vector.broadcast %reduce_sum3A_249 : f32 to vector<1x128xf32>
    %broadcast_in_dim3A_284 = vector.broadcast %jit3A_282 : f32 to vector<1x128xf32>
    %select_n3A_285 = arith.select %eq3A_281, %broadcast_in_dim3A_283, %broadcast_in_dim3A_284 : vector<1x128xi1>, vector<1x128xf32>
    %add3A_286 = arith.addf %add3A_278, %select_n3A_285 : vector<1x128xf32>
    %reshape3A_287 = vector.shape_cast %add3A_286 : vector<1x128xf32> to vector<1x1x128xf32>
    %swap3A_288 = arith.constant 0 : index
    %swap3A_289 = arith.constant 0 : index
    %swap3A_290 = arith.constant 0 : index
    %swap3A_291 = vector.load %arg7[%swap3A_288, %swap3A_289, %swap3A_290] : memref<1x1x128xf32, #tpu.memory_space<vmem>>, vector<1x1x128xf32>
    tpu.vector_store %arg7[%swap3A_288, %swap3A_289, %swap3A_290], %reshape3A_287 {strides = array<i32>} : memref<1x1x128xf32, #tpu.memory_space<vmem>>, vector<1x1x128xf32>,
    return
  }
  func.func @transform_0(%arg0: i32) -> (i32, i32, i32) {
    %c0_i32 = arith.constant 0 : i32
    %c0_i32_0 = arith.constant 0 : i32
    %c0_i32_1 = arith.constant 0 : i32
    return %arg0, %c0_i32, %c0_i32_0 : i32, i32, i32
  }
  func.func @transform_1(%arg0: i32) -> (i32, i32, i32) {
    %c0_i32 = arith.constant 0 : i32
    %c0_i32_0 = arith.constant 0 : i32
    %c0_i32_1 = arith.constant 0 : i32
    return %arg0, %c0_i32, %c0_i32_0 : i32, i32, i32
  }
  func.func @transform_2(%arg0: i32) -> (i32, i32, i32) {
    %c0_i32 = arith.constant 0 : i32
    %c0_i32_0 = arith.constant 0 : i32
    %c0_i32_1 = arith.constant 0 : i32
    return %arg0, %c0_i32, %c0_i32_0 : i32, i32, i32
  }
  func.func @transform_3(%arg0: i32) -> (i32, i32) {
    %c0_i32 = arith.constant 0 : i32
    %c0_i32_0 = arith.constant 0 : i32
    %c0_i32_1 = arith.constant 0 : i32
    return %c0_i32, %c0_i32_0 : i32, i32
  }
  func.func @transform_4(%arg0: i32) -> (i32, i32, i32) {
    %c0_i32 = arith.constant 0 : i32
    %c0_i32_0 = arith.constant 0 : i32
    %c0_i32_1 = arith.constant 0 : i32
    return %arg0, %c0_i32, %c0_i32_0 : i32, i32, i32
  }
  func.func @transform_5(%arg0: i32) -> (i32, i32, i32) {
    %c0_i32 = arith.constant 0 : i32
    %c0_i32_0 = arith.constant 0 : i32
    %c0_i32_1 = arith.constant 0 : i32
    return %arg0, %c0_i32, %c0_i32_0 : i32, i32, i32
  }
  func.func @transform_6(%arg0: i32) -> (i32, i32, i32) {
    %c0_i32 = arith.constant 0 : i32
    %c0_i32_0 = arith.constant 0 : i32
    %c0_i32_1 = arith.constant 0 : i32
    return %arg0, %c0_i32, %c0_i32_0 : i32, i32, i32
  }
}

</mosaic_0001>

<sc_bundles>
// kernel: kernel.4.cloned.1.call-start
scs
__scs_entry_jumppad:
0x0: {  	(pc) =	sbr.rel $0x88, $3  }
0x1: {  	(tag) =	ssettag $0x0;
	lr =	simm.s32 $0x1  }
0x2: {  	[smem:$0x3F9D] =	sst lr;
	_ =	strace $0xD0000000  }
0x3: {  	_ = 	snop  }
0x4: {  	_ = 	snop  }
0x5: {  	_ = 	snop  }
0x6: {  	_ = 	snop  }
0x7: {  	_ = 	snop  }
__scs_overlays_trampoline_lowered:
0x8: {  	[smem:$0x3FAC] =	sst s0  }
0x9: {  	[smem:$0x3FAD] =	sst s1  }
0xa: {  	[smem:$0x3FAE] =	sst s2  }
0xb: {  	[smem:$0x3FAF] =	sst s3  }
0xc: {  	[smem:$0x3FB0] =	sst s4  }
0xd: {  	[smem:$0x3FB1] =	sst s5  }
0xe: {  	[smem:$0x3FB2] =	sst s6  }
0xf: {  	[smem:$0x3FB3] =	sst s7  }
0x10: {  	[smem:$0x3FB4] =	sst s8  }
0x11: {  	[smem:$0x3FB5] =	sst s9;
	s0 =	simm.s32 @!p0 $0x0  }
0x12: {  	s1 =	sld [smem:$0x3F9B];
	s0 =	simm.s32 @p0 $0x1  }
0x13: {  	[smem:$0x3FB6] =	sst s0;
	s0 =	simm.s32 @!p1 $0x0  }
0x14: {  	s2 =	sld [smem:$0x3F9A];
	s0 =	simm.s32 @p1 $0x1  }
0x15: {  	[smem:$0x3FB7] =	sst s0;
	s0 =	simm.s32 @!p2 $0x0  }
0x16: {  	s3 =	sld [smem:$0x3FDB];
	s0 =	simm.s32 @p2 $0x1  }
0x17: {  	s4 =	simm.s32 $0x1BF5;
	[smem:$0x3FB9] =	sst s0  }
0x18: {  	s0 =	sld [smem:$0x3F9C];
	_ =	swait.ge [sflag:s4], $0x0  }
0x19: {  	s7 =	sld [smem:$0x3F9D]  }
0x1a: {  	s8 =	sadd.s32 $0xFFFFE003, lr  }
0x1b: {  	s9 =	sadd.s32 $0xFFFFFEF7, lr;
	s5 =	simm.s32 $0xFFFFFFFF;
	p2 =	slt.u32 s8, $0xFFFFF086  }
0x1c: {  	p1 =	slt.u32 s9, $0xF7A;
	s5 =	simm.s32 @!p2 $0x0  }
0x1d: {  	s5 =	simm.s32 @p1 $0x1;
	p0 =	seq.s32 s7, s2  }
0x1e: {  	s7 =	smul.u32 @!p0 $0xF7A, s2;
	p2 =	seq.s32 @!p0 s5, $0x0  }
0x1f: {  	s9 =	smul.u32 $0xF7A, s1;
	s8 =	simm.s32 @!p0 $0x1BF5;
	p2 =	por !p2, p0  }
0x20: {  	[sflag:s8] =	ssyncset.s32 @!p0 $0xFFFFF086;
	s6 =	sadd.s32 @!p0 s3, s7;
	s7 =	simm.s32 @!p0 $0x108  }
0x21: {  	s3 =	sadd.s32 s3, s9;
	s6 =	sadd.s32 @!p0 $0x88, s6;
	s7 =	simm.s32 @p2 $0x1082  }
0x22: {  	[simem:s7], [sflag:s8] =	dma.local @!p0 [hbm:s6], $0xF7A  }
0x23: {  	s9 =	sor.u32 $0xD0000000, s2;
	s6 =	simm.s32 $0x108;
	_ =	swait.ge @!p0 [sflag:s8], $0x0  }
0x24: {  	s3 =	sadd.s32 $0x88, s3;
	s6 =	simm.s32 @!p1 $0x1082;
	[sflag:s4] =	ssyncset.s32 $0xFFFFF086  }
0x25: {  	[simem:s6], [sflag:s4] =	dma.local [hbm:s3], $0xF7A  }
0x26: {  	[smem:$0x3F9D] =	sst s1;
	(tag) =	ssettag s2;
	_ =	strace s9  }
0x27: {  	s1 =	sld [smem:$0x3FAD]  }
0x28: {  	s2 =	sld [smem:$0x3FAE]  }
0x29: {  	s4 =	sld [smem:$0x3FB0]  }
0x2a: {  	p0 =	seq.s32 s5, $0x0;
	s5 =	sld [smem:$0x3FB1]  }
0x2b: {  	s6 =	sld [smem:$0x3FB2]  }
0x2c: {  	s7 =	sld [smem:$0x3FB3]  }
0x2d: {  	s3 =	simm.s32 $0x108;
	s8 =	sld [smem:$0x3FB4]  }
0x2e: {  	s3 =	simm.s32 @!p0 $0x1082;
	s9 =	sld [smem:$0x3FB5]  }
0x2f: {  	lr =	sadd.s32 s0, s3;
	s0 =	sld [smem:$0x3FAC]  }
0x30: {  	s3 =	sld [smem:$0x3FAF]  }
0x31: {  	[smem:$0x3FB8] =	sst s10  }
0x32: {  	s10 =	sld [smem:$0x3FB6];
	_ =	sdelay $0x3  }
0x33: {  	p0 =	seq.s32 s10, $0x1;
	s10 =	sld [smem:$0x3FB8];
	_ =	sdelay $0x3  }
0x34: {  	[smem:$0x3FB8] =	sst s10  }
0x35: {  	s10 =	sld [smem:$0x3FB7];
	_ =	sdelay $0x3  }
0x36: {  	p1 =	seq.s32 s10, $0x1;
	s10 =	sld [smem:$0x3FB8];
	_ =	sdelay $0x3  }
0x37: {  	[smem:$0x3FB8] =	sst s10  }
0x38: {  	s10 =	sld [smem:$0x3FB9]  }
0x39: {  	_ = 	snop;
	(pc) =	sbr.ind lr, $3  }
0x3a: {  	_ = 	snop  }
0x3b: {  	_ = 	snop  }
0x3c: {  	p2 =	seq.s32 s10, $0x1;
	s10 =	sld [smem:$0x3FB8]  }
0x3d: {  	_ =	shalt  }
0x3e: {  	_ =	shalt  }
0x3f: {  	_ =	shalt  }
0x40: {  	_ =	shalt  }
0x41: {  	_ =	shalt  }
0x42: {  	_ =	shalt  }
0x43: {  	_ =	shalt  }
0x44: {  	_ =	shalt  }
0x45: {  	_ =	shalt  }
0x46: {  	_ =	shalt  }
0x47: {  	_ =	shalt  }
0x48: {  	_ =	shalt  }
0x49: {  	_ =	shalt  }
0x4a: {  	_ =	shalt  }
0x4b: {  	_ =	shalt  }
0x4c: {  	_ =	shalt  }
0x4d: {  	_ =	shalt  }
0x4e: {  	_ =	shalt  }
0x4f: {  	_ =	shalt  }
0x50: {  	_ =	shalt  }
0x51: {  	_ =	shalt  }
0x52: {  	_ =	shalt  }
0x53: {  	_ =	shalt  }
0x54: {  	_ =	shalt  }
0x55: {  	_ =	shalt  }
0x56: {  	_ =	shalt  }
0x57: {  	_ =	shalt  }
0x58: {  	_ =	shalt  }
0x59: {  	_ =	shalt  }
0x5a: {  	_ =	shalt  }
0x5b: {  	_ =	shalt  }
0x5c: {  	_ =	shalt  }
0x5d: {  	_ =	shalt  }
0x5e: {  	_ =	shalt  }
0x5f: {  	_ =	shalt  }
0x60: {  	_ =	shalt  }
0x61: {  	_ =	shalt  }
0x62: {  	_ =	shalt  }
0x63: {  	_ =	shalt  }
0x64: {  	_ =	shalt  }
0x65: {  	_ =	shalt  }
0x66: {  	_ =	shalt  }
0x67: {  	_ =	shalt  }
0x68: {  	_ =	shalt  }
0x69: {  	_ =	shalt  }
0x6a: {  	_ =	shalt  }
0x6b: {  	_ =	shalt  }
0x6c: {  	_ =	shalt  }
0x6d: {  	_ =	shalt  }
0x6e: {  	_ =	shalt  }
0x6f: {  	_ =	shalt  }
0x70: {  	_ =	shalt  }
0x71: {  	_ =	shalt  }
0x72: {  	_ =	shalt  }
0x73: {  	_ =	shalt  }
0x74: {  	_ =	shalt  }
0x75: {  	_ =	shalt  }
0x76: {  	_ =	shalt  }
0x77: {  	_ =	shalt  }
0x78: {  	_ =	shalt  }
0x79: {  	_ =	shalt  }
0x7a: {  	_ =	shalt  }
0x7b: {  	_ =	shalt  }
0x7c: {  	_ =	shalt  }
0x7d: {  	_ =	shalt  }
0x7e: {  	_ =	shalt  }
0x7f: {  	_ =	shalt  }
0x80: {  	_ =	shalt  }
0x81: {  	_ =	shalt  }
0x82: {  	_ =	shalt  }
0x83: {  	_ =	shalt  }
0x84: {  	_ =	shalt  }
0x85: {  	_ =	shalt  }
0x86: {  	_ =	shalt  }
0x87: {  	_ =	shalt  }
.Lfunc_end0:
.L_simem_size_0:
called_computation_lowered:
.L_overlay_start_0:
0x88: {  	s2 =	sld [smem:$0x3FD9]  }
0x89: {  	s3 =	sld [smem:$0x3FFE];
	_ =	sdelay $0x1  }
0x8a: {  	s1 =	srdreg.scid  }
0x8b: {  	s0 =	sand.u32 $0x1, s1  }
0x8c: {  	s16 =	sshll.u32 s0, $0xA;
	s2 =	sadd.s32 s3, s2  }
0x8d: {  	s2 =	sadd.s32 s2, s16  }
0x8e: {  	[smem:$0x3FC4] =	sst s2  }
0x8f: {  	_ = 	snop  }
0x90: {  	(tm) =	ssettm $0x1  }
0x91: {  	s17 =	sld [smem:$0x3FFB];
	_ =	sdelay $0x3  }
0x92: {  	_ =	strace s17  }
0x93: {  	s2 =	sld [smem:$0x3FFC];
	_ =	sdelay $0x3  }
0x94: {  	_ =	strace s2  }
0x95: {  	s2 =	sld [smem:$0x3FFD];
	_ =	sdelay $0x3  }
0x96: {  	_ =	strace s2  }
0x97: {  	_ =	strace $0x8FFFFFFF  }
0x98: {  	s18 =	sld [smem:$0x3FDB];
	_ =	sdelay $0x1  }
0x99: {  	s19 =	simm.s32 $_scs_section_size  }
0x9a: {  	s4 =	simm.s32 $_size__tile_overlayer_lowered;
	s5 =	simm.s32 $_tile_overlayer_lowered  }
0x9b: {  	s22 =	simm.s32 $0x1BFF;
	s21 =	sshll.u32 s5, $0x1;
	s2 =	sadd.s32 s19, s18  }
0x9c: {  	s6 =	simm.s32 $0x0;
	s20 =	sshll.u32 s4, $0x1;
	s4 =	sadd.s32 s21, s2  }
0x9d: {  	[timem:s6], [sflag:s22] =	dma.local [hbm:s4], s20  }
0x9e: {  	_ =	swait.ge [sflag:s22], s20  }
0x9f: {  	s3 =	ssub.s32 $0x0, s20;
	[sflag:s22] =	ssyncset.done $0x0  }
0xa0: {  	[sflag:s22] =	ssyncadd.s32 s3;
	_ =	sdelay $0x1  }
0xa1: {  	s23 =	simm.s32 $0x1B8B  }
0xa2: {  	_ =	swait.ge [sflag:s23], $0x1  }
0xa3: {  	[sflag:s23] =	ssyncset.done $0x0  }
0xa4: {  	s25 =	simm.s32 $0x1B8E;
	s24 =	sld [smem:$0x3FFE];
	[sflag:s23] =	ssyncadd.s32 $0xFFFFFFFF  }
0xa5: {  	s26 =	simm.s32 $execute0_lowered;
	[smem:$0x3FD2] =	sst s25  }
0xa6: {  	s4 =	sshll.u32 s26, $0x1;
	_ =	strace $0x80000046;
	[dreg:$0x1] =	wrdreg $0xFFFFFFFF  }
0xa7: {  	s28 =	simm.s32 $_size_execute0_lowered;
	s2 =	sadd.s32 s2, s4;
	[dreg:$0x0] =	wrdreg $0x0  }
0xa8: {  	s4 =	sshll.u32 s28, $0x1;
	[dreg:$0x2] =	wrdreg s2  }
0xa9: {  	[dreg:$0x3] =	wrdreg s4  }
0xaa: {  	[dreg:$0x4] =	wrdreg $0xC0  }
0xab: {  	_ =	task [dreg:s6], $0x5FFFF  }
0xac: {  	[dreg:$0x1] =	wrdreg $0xFFFFFFFF  }
0xad: {  	[dreg:$0x0] =	wrdreg $0x60  }
0xae: {  	[dreg:$0x2] =	wrdreg s24  }
0xaf: {  	[dreg:$0x3] =	wrdreg $0x9  }
0xb0: {  	_ =	task.clear_ibuf [dreg:s6], $0x4FFFF;
	_ =	strace $0x90000046  }
0xb1: {  	s29 =	simm.s32 $0x9;
	_ =	strace $0x80000048  }
0xb2: {  	_ =	swait.ge [sflag:s29], $0x1  }
0xb3: {  	[sflag:s29] =	ssyncadd.s32 $0xFFFFFFFF  }
0xb4: {  	_ =	strace $0x90000048  }
0xb5: {  	_ =	sfence  }
0xb6: {  	s30 =	sld [smem:$0x0];
	_ =	sdelay $0x2  }
0xb7: {  	s31 =	sshll.u32 s1, $0xD;
	s1 =	sshrl.u32 s1, $0x2  }
0xb8: {  	s3 =	sand.u32 $0x4000, s31;
	s1 =	sadd.s32 s1, s30  }
0xb9: {  	s0 =	sor.u32 s3, s0;
	s1 =	sshll.u32 s1, $0x11  }
0xba: {  	s0 =	sor.u32 s1, s0  }
0xbb: {  	s0 =	sadd.s32 $0x8F2B, s0  }
0xbc: {  	[sflag:s0] =	ssyncadd.remote.s32 $0x1  }
0xbd: {  	_ =	sfence.sel $0xFFFF  }
0xbe: {  	[dreg:$0x0] =	wrdreg $0xFFFFFFFF;
	(pc) =	sbr.abs _section_cstart, $3  }
0xbf: {  	[dreg:$0x1] =	wrdreg $0xFFFFFFFF  }
0xc0: {  	_ =	task.clear_ibuf [dreg:s6], $0x2FFFF;
	_ =	strace $0x9FFFFFFF  }
0xc1: {  	(tm) =	ssettm $0x7FFFFFFF  }
tec
execute0_lowered:
.L_overlay_start_1:
0x0: {  	(tag) =	ssettag $0x1  }
0x1: {  	v0 =	vimm.s32 $0xFEDCBA98;
	v1 =	vimm.s32 $0x76543210  }
0x2: {  	s5 =	rddreg [dreg:$0x0];
	s1 =	simm.s32 $0x0;
	v3 =	vimm.s32 $0xBA987654;
	v4 =	vimm.s32 $0x10FEDCBA;
	v5 =	vimm.s32 $0x98765432  }
0x3: {  	s0 =	stileid.u32;
	s2 =	srdreg.scid;
	v6 =	vimm.s32 $0xFEDCBA9;
	v7 =	vimm.s32 $0x87654321;
	s9 =	simm.s32 $0x400  }
0x4: {  	s10 =	simm.s32 $0x1;
	s11 =	simm.s32 $0x2280;
	vm0 =	vcmask $0x300;
	s12 =	simm.s32 $0x4500;
	vm1 =	vcmask $0x704;
	v0 =	vunpack.c.l.s4.s8 v0  }
0x5: {  	s13 =	simm.s32 $0x4580;
	s14 =	simm.s32 $0x0;
	[smem:$0x7FF] =	sst s1;
	v1 =	vunpack.c.l.s4.s8 v1;
	v3 =	vunpack.c.l.s4.s8 v3;
	v4 =	vunpack.c.l.s4.s8 v4  }
0x6: {  	s3 =	sshrl.u32 s0, $0x2;
	s4 =	sshll.u32 s0, $0x8;
	s6 =	sand.u32 $0x1, s2;
	v5 =	vunpack.c.l.s4.s8 v5;
	v2 =	vunpack.c.0.s8.s32 v0;
	v0 =	vimm.s32 $0x3210FEDC  }
0x7: {  	s2 =	rddreg [dreg:$0x1];
	v6 =	vunpack.c.l.s4.s8 v6;
	v7 =	vunpack.c.l.s4.s8 v7;
	s4 =	sand.u32 $0x300, s4;
	s7 =	smul.u32 $0x11400, s3;
	v0 =	vunpack.c.l.s4.s8 v0  }
0x8: {  	s8 =	sshll.u32 s6, $0x7;
	_ =	strace $0x80000047;
	s6 =	ssub.s32 $0x2, s6;
	v3 =	vunpack.c.0.s8.s32 v3;
	v4 =	vunpack.c.0.s8.s32 v4;
	v5 =	vunpack.c.0.s8.s32 v5  }
0x9: {  	s3 =	sshll.u32 s3, $0xA;
	s4 =	sor.u32 s8, s4;
	s28 =	sshrl.u32 s6, $0x1;
	v6 =	vunpack.c.0.s8.s32 v6;
	v7 =	vunpack.c.0.s8.s32 v7;
	v0 =	vunpack.c.0.s8.s32 v0  }
0xa: {  	vm2 =	vcmask $0xB08;
	v8 =	vunpack.c.0.s8.s32 v1;
	s8 =	simm.s32 $0x80;
	s7 =	sor.u32 s7, s4;
	s3 =	sor.u32 s3, s4;
	v1 =	vcombine.low v5, v4  }
0xb: {  	s30 =	ssub.s32 s6, s28;
	s7 =	sshrl.u32 s7, $0x3;
	s31 =	sshrl.u32 s3, $0x3;
	v9 =	vand.u32 $0xF, v2;
	v2 =	vcombine.low v7, v6;
	v0 =	vcombine.low v3, v0  }
0xc: {  	vm3 =	vcmask $0xF0C;
	s29 =	sadd.s32 s7, s5;
	s5 =	sadd.s32 s5, s31;
	s7 =	smax.u32 s30, $0x1;
	v4 =	vcombine.low v9, v8;
	v6 =	vand.u32 $0xF, v1  }
0xd: {  	s3 =	sadd.s32 $0x200, s29;
	s4 =	sadd.s32 $0x8C00, s29;
	s6 =	sadd.s32 $0x11600, s5;
	v7 =	vand.u32 $0xF, v2;
	v3 =	vimm.s32 $0x0;
	v5 =	vand.u32 $0xF, v0  }
.LBB2_1:
0xe: {  	[tilespmem:s1], [sflag:$0x1] =	stream.strided.gather [hbm4b:s3+s8], $0x2280, s9, s8, $0x38;
	[tilespmem:$0x4600] =	vst v63  }
0xf: {  	_ =	swait.ge [sflag:s10], $0x2280  }
0x10: {  	[sflag:s10] =	ssyncset.done $0x0  }
0x11: {  	[sflag:s10] =	ssyncadd.s32 $0xFFFFDD80  }
0x12: {  	[tilespmem:s11], [sflag:$0x1] =	stream.strided.gather [hbm4b:s4+s8], $0x2280, s9, s8, $0x38;
	[tilespmem:$0x4600] =	vst v63  }
0x13: {  	_ =	swait.ge [sflag:s10], $0x2280  }
0x14: {  	[sflag:s10] =	ssyncset.done $0x0  }
0x15: {  	[sflag:s10] =	ssyncadd.s32 $0xFFFFDD80  }
0x16: {  	[tilespmem:s12], [sflag:$0x1] =	stream.linear.gather [hbm4b:s5+s1], $0x80, $0x38;
	[tilespmem:$0x4600] =	vst v63  }
0x17: {  	_ =	swait.ge [sflag:s10], $0x80  }
0x18: {  	[sflag:s10] =	ssyncset.done $0x0  }
0x19: {  	[sflag:s10] =	ssyncadd.s32 $0xFFFFFF80  }
0x1a: {  	v8 =	vld [tilespmem:$0x4500];
	_ =	sdelay $0x4  }
0x1b: {  	(v2sf) =	vpush v8, $0x0;
	_ =	sdelay $0xe  }
0x1c: {  	s15 =	spop (v2sf)  }
0x1d: {  	s15 =	smul.f32 $3.000000000e+00, s15  }
0x1e: {  	s17 =	simm.s32 $0x7F800001;
	v9 =	vld [tilespmem:$0x4480]  }
0x1f: {  	s16 =	simm.s32 $0x0;
	s18 =	simm.s32 $0x0;
	v10 =	vld [tilespmem:$0x4490];
	s15 =	smin.f32 s15, $8.731000000e+03  }
.LBB2_2:
0x20: {  	s19 =	ssub.s32 s17, s16;
	p0 =	sne.s32 s17, s16;
	s20 =	simm.s32 $0x1  }
0x21: {  	s21 =	sshra.s32 s19, $0x1F;
	s20 =	simm.s32 @!p0 $0x0  }
0x22: {  	s31 =	simm.s32 $0x2300;
	s30 =	sand.u32 $0x1, s19;
	s20 =	sor.u32 s20, s21  }
0x23: {  	s22 =	sshrl.u32 s19, $0x1F;
	p1 =	seq.s32 s30, $0x1;
	p6 =	sne.s32 s20, $0x1  }
0x24: {  	v12 =	vld [tilespmem:s31+$0xFFFFFF80];
	s19 =	sadd.s32 s22, s19;
	p0 =	por !p6, !p1  }
0x25: {  	v13 =	vld [tilespmem:s31+$0xFFFFFF90];
	s19 =	sshra.s32 s19, $0x1;
	s20 =	simm.s32 $0x1;
	p0 =	por !p0, !p0  }
0x26: {  	v14 =	vld [tilespmem:s31+$0xFFFFFFA0];
	s19 =	sadd.s32 s16, s19;
	s20 =	simm.s32 @!p0 $0x0  }
0x27: {  	v15 =	vld [tilespmem:s31+$0xFFFFFFB0];
	s19 =	ssub.s32 s19, s20  }
0x28: {  	v16 =	vld [tilespmem:s31+$0xFFFFFFC0];
	v11 =	vmov s19  }
0x29: {  	vm4 =	vge.s32 v12, v11;
	v12 =	vld [tilespmem:s31+$0xFFFFFFD0]  }
0x2a: {  	v17 =	vimm.s32 $0x0;
	v18 =	vsel vm4, $0x1, v3;
	vm4 =	vge.s32 v13, v11;
	v13 =	vld [tilespmem:s31+$0xFFFFFFE0]  }
0x2b: {  	v17 =	vadd.s32 v18, v17;
	v18 =	vsel vm4, $0x1, v3;
	vm4 =	vge.s32 v14, v11;
	v14 =	vld [tilespmem:s31+$0xFFFFFFF0]  }
0x2c: {  	v17 =	vadd.s32 v18, v17;
	v18 =	vsel vm4, $0x1, v3;
	vm4 =	vge.s32 v15, v11;
	v15 =	vld [tilespmem:s31+$0x0]  }
0x2d: {  	v17 =	vadd.s32 v18, v17;
	v18 =	vsel vm4, $0x1, v3;
	vm4 =	vge.s32 v16, v11;
	v16 =	vld [tilespmem:s31+$0x10]  }
0x2e: {  	v19 =	vld [tilespmem:s31+$0x20];
	v17 =	vadd.s32 v18, v17;
	v18 =	vsel vm4, $0x1, v3;
	vm4 =	vge.s32 v12, v11  }
0x2f: {  	v12 =	vld [tilespmem:s31+$0x30];
	v17 =	vadd.s32 v18, v17;
	v18 =	vsel vm4, $0x1, v3;
	vm4 =	vge.s32 v13, v11  }
0x30: {  	v13 =	vld [tilespmem:s31+$0x40];
	v17 =	vadd.s32 v18, v17;
	v18 =	vsel vm4, $0x1, v3;
	vm4 =	vge.s32 v14, v11  }
0x31: {  	v14 =	vld [tilespmem:s31+$0x50];
	v17 =	vadd.s32 v18, v17;
	v18 =	vsel vm4, $0x1, v3;
	vm4 =	vge.s32 v15, v11  }
0x32: {  	v15 =	vld [tilespmem:s31+$0x60];
	v17 =	vadd.s32 v18, v17;
	v18 =	vsel vm4, $0x1, v3;
	vm4 =	vge.s32 v16, v11  }
0x33: {  	s21 =	simm.s32 $0x2400;
	s20 =	simm.s32 $0x0;
	v16 =	vld [tilespmem:s31+$0x70];
	v17 =	vadd.s32 v18, v17;
	v18 =	vsel vm4, $0x1, v3;
	vm4 =	vge.s32 v19, v11  }
.LBB2_3:
0x34: {  	v19 =	vld [tilespmem:s21+$0xFFFFFF80];
	s20 =	sadd.s32 $0x10, s20;
	v17 =	vadd.s32 v18, v17;
	v18 =	vsel vm4, $0x1, v3;
	vm4 =	vge.s32 v12, v11  }
0x35: {  	v12 =	vld [tilespmem:s21+$0xFFFFFF90];
	p0 =	slt.u32 s20, $0x210;
	v17 =	vadd.s32 v18, v17;
	v18 =	vsel vm4, $0x1, v3;
	vm4 =	vge.s32 v13, v11  }
0x36: {  	v13 =	vld [tilespmem:s21+$0xFFFFFFA0];
	v17 =	vadd.s32 v18, v17;
	v18 =	vsel vm4, $0x1, v3;
	vm4 =	vge.s32 v14, v11  }
0x37: {  	v14 =	vld [tilespmem:s21+$0xFFFFFFB0];
	v17 =	vadd.s32 v18, v17;
	v18 =	vsel vm4, $0x1, v3;
	vm4 =	vge.s32 v15, v11  }
0x38: {  	v15 =	vld [tilespmem:s21+$0xFFFFFFC0];
	v17 =	vadd.s32 v18, v17;
	v18 =	vsel vm4, $0x1, v3;
	vm4 =	vge.s32 v16, v11  }
0x39: {  	vm5 =	vge.s32 v19, v11;
	v16 =	vld [tilespmem:s21+$0xFFFFFFD0];
	v17 =	vadd.s32 v18, v17;
	v18 =	vsel vm4, $0x1, v3  }
0x3a: {  	v19 =	vsel vm5, $0x1, v3;
	vm4 =	vge.s32 v12, v11;
	v12 =	vld [tilespmem:s21+$0xFFFFFFE0];
	v17 =	vadd.s32 v18, v17  }
0x3b: {  	v17 =	vadd.s32 v19, v17;
	v18 =	vsel vm4, $0x1, v3;
	vm4 =	vge.s32 v13, v11;
	v13 =	vld [tilespmem:s21+$0xFFFFFFF0]  }
0x3c: {  	v17 =	vadd.s32 v18, v17;
	v18 =	vsel vm4, $0x1, v3;
	vm4 =	vge.s32 v14, v11;
	v14 =	vld [tilespmem:s21+$0x0]  }
0x3d: {  	v17 =	vadd.s32 v18, v17;
	v18 =	vsel vm4, $0x1, v3;
	vm4 =	vge.s32 v15, v11;
	v15 =	vld [tilespmem:s21+$0x10]  }
0x3e: {  	v17 =	vadd.s32 v18, v17;
	v18 =	vsel vm4, $0x1, v3;
	vm4 =	vge.s32 v16, v11;
	v16 =	vld [tilespmem:s21+$0x20]  }
.Ltmp0:
0x3f: {  	v17 =	vadd.s32 v18, v17;
	v18 =	vsel vm4, $0x1, v3;
	vm4 =	vge.s32 v12, v11;
	v12 =	vld [tilespmem:s21+$0x30];
	(pc) =	sbr.rel @p0 .LBB2_3-.Ltmp0, $4  }
0x40: {  	v17 =	vadd.s32 v18, v17;
	v18 =	vsel vm4, $0x1, v3;
	vm4 =	vge.s32 v13, v11;
	v13 =	vld [tilespmem:s21+$0x40]  }
0x41: {  	v17 =	vadd.s32 v18, v17;
	v18 =	vsel vm4, $0x1, v3;
	vm4 =	vge.s32 v14, v11;
	v14 =	vld [tilespmem:s21+$0x50]  }
0x42: {  	v17 =	vadd.s32 v18, v17;
	v18 =	vsel vm4, $0x1, v3;
	vm4 =	vge.s32 v15, v11;
	v15 =	vld [tilespmem:s21+$0x60]  }
0x43: {  	v17 =	vadd.s32 v18, v17;
	v18 =	vsel vm4, $0x1, v3;
	vm4 =	vge.s32 v16, v11;
	v16 =	vld [tilespmem:s21+$0x70];
	s21 =	sadd.s32 $0x100, s21  }
0x44: {  	v17 =	vadd.s32 v18, v17;
	v56 =	vsel vm4, $0x1, v3;
	vm4 =	vge.s32 v12, v11  }
0x45: {  	v57 =	vadd.s32 v56, v17;
	v58 =	vsel vm4, $0x1, v3;
	vm4 =	vge.s32 v13, v11  }
0x46: {  	v12 =	vadd.s32 v58, v57;
	v13 =	vsel vm4, $0x1, v3;
	vm4 =	vge.s32 v14, v11  }
0x47: {  	v12 =	vadd.s32 v13, v12;
	v59 =	vsel vm4, $0x1, v3;
	vm4 =	vge.s32 v15, v11  }
0x48: {  	v12 =	vadd.s32 v59, v12;
	v60 =	vsel vm4, $0x1, v3;
	vm4 =	vge.s32 v16, v11  }
0x49: {  	v12 =	vadd.s32 v60, v12;
	v61 =	vsel vm4, $0x1, v3;
	vm4 =	vge.s32 v9, v11  }
0x4a: {  	v12 =	vadd.s32 v61, v12;
	v62 =	vsel vm4, $0x1, v3;
	vm4 =	vge.s32 v10, v11  }
0x4b: {  	v11 =	vadd.s32 v62, v12;
	v63 =	vsel vm4, $0x1, v3  }
0x4c: {  	v11 =	vadd.s32 v63, v11  }
0x4d: {  	v12 =	vperm.xlane v11, v4;
	_ =	sdelay $0x1  }
0x4e: {  	v11 =	vadd.s32 v12, v11  }
0x4f: {  	v12 =	vperm.xlane v11, v0;
	_ =	sdelay $0x1  }
0x50: {  	v11 =	vadd.s32 v12, v11  }
0x51: {  	v12 =	vperm.xlane v11, v1;
	_ =	sdelay $0x1  }
0x52: {  	v11 =	vadd.s32 v12, v11  }
0x53: {  	v12 =	vperm.xlane v11, v2;
	_ =	sdelay $0x1  }
0x54: {  	v11 =	vadd.s32 v12, v11  }
0x55: {  	(v2sf) =	vpush v11, $0x0;
	_ =	sdelay $0xe  }
0x56: {  	s20 =	spop (v2sf)  }
0x57: {  	s20 =	scvt.s32.f32 s20;
	_ =	sdelay $0x1  }
0x58: {  	p0 =	sle.f32 s15, s20  }
0x59: {  	s18 =	sadd.s32 $0x1, s18  }
0x5a: {  	s16 =	smov.u32 @p0 s19;
	s19 =	smov.u32 @p0 s17;
	p0 =	seq.s32 s18, $0x1F  }
.Ltmp1:
0x5b: {  	_ = 	snop;
	(pc) =	sbr.rel @!p0 .LBB2_2-.Ltmp1, $2  }
0x5c: {  	_ =	sdelay $0x2  }
0x5d: {  	s17 =	smov.u32 s19  }
0x5e: {  	s18 =	simm.s32 $0x40  }
0x5f: {  	v10 =	vmov s16;
	s16 =	simm.s32 $0x22C0;
	v9 =	vld [tilespmem:s18+$0x30]  }
0x60: {  	v12 =	vld [tilespmem:s16+$0x30]  }
0x61: {  	v11 =	vld [tilespmem:s18+$0x20]  }
0x62: {  	v16 =	vld [tilespmem:s16+$0x20]  }
0x63: {  	v18 =	vld [tilespmem:s16+$0x10]  }
0x64: {  	v20 =	vld [tilespmem:s16+$0x0]  }
0x65: {  	v21 =	vld [tilespmem:s16+$0xFFFFFFF0]  }
0x66: {  	v22 =	vld [tilespmem:s16+$0xFFFFFFE0]  }
0x67: {  	v24 =	vld [tilespmem:s16+$0xFFFFFFD0]  }
0x68: {  	v25 =	vld [tilespmem:s16+$0xFFFFFFC0]  }
0x69: {  	v19 =	vld [tilespmem:s18+$0xFFFFFFC0]  }
0x6a: {  	v17 =	vld [tilespmem:s18+$0x10]  }
0x6b: {  	v14 =	vimm.f32 $0.0e+00;
	v15 =	vimm.s32 $0x0;
	v23 =	vld [tilespmem:s18+$0xFFFFFFD0]  }
0x6c: {  	v13 =	vimm.f32 $-1.000000000e+00;
	vm6 =	vgt.s32 v16, v10;
	vm8 =	vgt.s32 v18, v10;
	v18 =	vld [tilespmem:s18+$0x0]  }
0x6d: {  	vm4 =	vgt.s32 v12, v10;
	vm10 =	vgt.s32 v21, v10;
	vm7 =	vgt.s32 v25, v10;
	v25 =	vld [tilespmem:s18+$0xFFFFFFF0]  }
0x6e: {  	vm5 =	vgt.s32 v20, v10;
	vm11 =	vgt.s32 v24, v10;
	vm9 =	vgt.s32 v22, v10;
	v24 =	vld [tilespmem:s18+$0xFFFFFFE0]  }
0x6f: {  	v16 =	vnsel vm7, $0x0, v19;
	v20 =	vnsel vm4, $0x0, v9;
	v12 =	vsel vm4, $0x1, v3  }
0x70: {  	v27 =	vnsel vm11, $0x0, v23;
	v22 =	vsel vm8, $0x1, v3;
	v26 =	vadd.f32 v16, v14  }
0x71: {  	s17 =	simm.s32 $0x0;
	s18 =	simm.s32 $0xC0;
	v21 =	vsel vm8, $0xBF800000, v17;
	v16 =	vsel vm6, $0x1, v3;
	v14 =	vsel vm6, $0xBF800000, v11  }
.LBB2_6:
0x72: {  	v28 =	vld [tilespmem:s18+$0x30];
	v26 =	vadd.f32 v27, v26;
	v27 =	vsel vm5, $0x1, v3;
	v29 =	vsel vm5, $0xBF800000, v18;
	s16 =	sadd.s32 $0x80, s16  }
0x73: {  	v32 =	vsel vm10, $0x1, v3;
	v33 =	vsel vm10, $0xBF800000, v25;
	v30 =	vld [tilespmem:s16+$0x30];
	v31 =	vnsel vm9, $0x0, v24  }
0x74: {  	v24 =	vsel vm9, $0xBF800000, v24;
	v34 =	vld [tilespmem:s18+$0x20];
	v26 =	vadd.f32 v31, v26;
	v31 =	vsel vm9, $0x1, v3  }
0x75: {  	v36 =	vsel vm11, $0x1, v3;
	v23 =	vsel vm11, $0xBF800000, v23;
	v25 =	vnsel vm10, $0x0, v25;
	v35 =	vld [tilespmem:s16+$0x20]  }
0x76: {  	v38 =	vsel vm7, $0x1, v3;
	v19 =	vsel vm7, $0xBF800000, v19;
	v37 =	vld [tilespmem:s18+$0x10];
	v25 =	vadd.f32 v25, v26  }
0x77: {  	v18 =	vnsel vm5, $0x0, v18;
	v15 =	vadd.s32 v38, v15;
	v13 =	vmax.f32 v13, v19;
	v26 =	vld [tilespmem:s16+$0x10]  }
0x78: {  	v15 =	vadd.s32 v36, v15;
	v13 =	vmax.f32 v13, v23;
	v38 =	vld [tilespmem:s16+$0x0];
	v18 =	vadd.f32 v18, v25  }
0x79: {  	v23 =	vnsel vm8, $0x0, v17;
	v15 =	vadd.s32 v31, v15;
	v13 =	vmax.f32 v13, v24;
	v36 =	vld [tilespmem:s16+$0xFFFFFFF0]  }
0x7a: {  	v15 =	vadd.s32 v32, v15;
	v13 =	vmax.f32 v13, v33;
	v31 =	vld [tilespmem:s16+$0xFFFFFFE0];
	v18 =	vadd.f32 v23, v18  }
0x7b: {  	v19 =	vnsel vm6, $0x0, v11;
	v15 =	vadd.s32 v27, v15;
	v13 =	vmax.f32 v13, v29;
	v11 =	vmovc v34;
	v24 =	vld [tilespmem:s16+$0xFFFFFFD0];
	v17 =	vmovc v37  }
0x7c: {  	s17 =	sadd.s32 $0x8, s17;
	v15 =	vadd.s32 v22, v15;
	v13 =	vmax.f32 v13, v21;
	v27 =	vld [tilespmem:s16+$0xFFFFFFC0];
	v21 =	vadd.f32 v19, v18  }
0x7d: {  	p0 =	slt.u32 s17, $0x218;
	v15 =	vadd.s32 v16, v15;
	v13 =	vmax.f32 v13, v14;
	v14 =	vsel vm4, $0xBF800000, v9;
	v9 =	vmovc v28;
	v19 =	vld [tilespmem:s18+$0xFFFFFFC0]  }
0x7e: {  	v15 =	vadd.s32 v12, v15;
	v13 =	vmax.f32 v13, v14;
	v18 =	vld [tilespmem:s18+$0x0];
	v16 =	vadd.f32 v20, v21  }
0x7f: {  	vm4 =	vgt.s32 v30, v10;
	vm6 =	vgt.s32 v35, v10;
	v23 =	vld [tilespmem:s18+$0xFFFFFFD0]  }
.Ltmp2:
0x80: {  	vm8 =	vgt.s32 v26, v10;
	vm5 =	vgt.s32 v38, v10;
	vm10 =	vgt.s32 v36, v10;
	v25 =	vld [tilespmem:s18+$0xFFFFFFF0];
	(pc) =	sbr.rel @p0 .LBB2_6-.Ltmp2, $4  }
0x81: {  	vm9 =	vgt.s32 v31, v10;
	vm11 =	vgt.s32 v24, v10;
	vm7 =	vgt.s32 v27, v10;
	v24 =	vld [tilespmem:s18+$0xFFFFFFE0]  }
0x82: {  	v12 =	vsel vm4, $0x1, v3;
	v20 =	vnsel vm4, $0x0, v9;
	v14 =	vnsel vm7, $0x0, v19  }
0x83: {  	v26 =	vadd.f32 v14, v16;
	v16 =	vsel vm6, $0x1, v3;
	v14 =	vsel vm6, $0xBF800000, v11  }
0x84: {  	v22 =	vsel vm8, $0x1, v3;
	v21 =	vsel vm8, $0xBF800000, v17;
	s18 =	sadd.s32 $0x80, s18;
	v27 =	vnsel vm11, $0x0, v23  }
0x85: {  	v26 =	vadd.f32 v27, v26  }
0x86: {  	v59 =	vnsel vm9, $0x0, v24  }
0x87: {  	v26 =	vadd.f32 v59, v26  }
0x88: {  	v60 =	vnsel vm10, $0x0, v25  }
0x89: {  	v26 =	vadd.f32 v60, v26  }
0x8a: {  	v61 =	vnsel vm5, $0x0, v18  }
0x8b: {  	v26 =	vadd.f32 v61, v26  }
0x8c: {  	v17 =	vnsel vm8, $0x0, v17;
	v62 =	vld [tilespmem:$0x4480]  }
0x8d: {  	v63 =	vld [tilespmem:$0x2200];
	v17 =	vadd.f32 v17, v26  }
0x8e: {  	v11 =	vnsel vm6, $0x0, v11;
	v28 =	vld [tilespmem:$0x4490]  }
0x8f: {  	v29 =	vsel vm5, $0x1, v3;
	v30 =	vsel vm10, $0x1, v3;
	v36 =	vld [tilespmem:$0x2210];
	v11 =	vadd.f32 v11, v17  }
0x90: {  	v37 =	vsel vm10, $0xBF800000, v25;
	v31 =	vsel vm9, $0x1, v3;
	v32 =	vsel vm11, $0x1, v3  }
0x91: {  	v33 =	vsel vm7, $0x1, v3;
	vm14 =	vgt.s32 v62, v10;
	v11 =	vadd.f32 v20, v11  }
0x92: {  	v38 =	vsel vm11, $0xBF800000, v23;
	v15 =	vadd.s32 v33, v15;
	v39 =	vnsel vm14, $0x0, v63  }
0x93: {  	v15 =	vadd.s32 v32, v15;
	vm15 =	vgt.s32 v28, v10;
	v11 =	vadd.f32 v39, v11  }
0x94: {  	v40 =	vsel vm7, $0xBF800000, v19;
	v15 =	vadd.s32 v31, v15;
	v41 =	vnsel vm15, $0x0, v36  }
0x95: {  	v45 =	vsel vm5, $0xBF800000, v18;
	v42 =	vadd.s32 v30, v15;
	v11 =	vadd.f32 v41, v11  }
0x96: {  	v43 =	vsel vm9, $0xBF800000, v24;
	v10 =	vmax.f32 v13, v40;
	v13 =	vadd.s32 v29, v42  }
0x97: {  	v10 =	vmax.f32 v10, v38;
	v13 =	vadd.s32 v22, v13;
	v44 =	vperm.xlane v11, v4  }
0x98: {  	v46 =	vsel vm14, $0x1, v3;
	v10 =	vmax.f32 v10, v43;
	v13 =	vadd.s32 v16, v13  }
0x99: {  	v10 =	vmax.f32 v10, v37;
	v12 =	vadd.s32 v12, v13;
	v11 =	vadd.f32 v11, v44  }
0x9a: {  	v47 =	vsel vm15, $0x1, v3;
	v10 =	vmax.f32 v10, v45;
	v12 =	vadd.s32 v46, v12  }
0x9b: {  	v10 =	vmax.f32 v10, v21;
	v12 =	vadd.s32 v47, v12;
	v48 =	vperm.xlane v11, v5  }
0x9c: {  	v9 =	vsel vm4, $0xBF800000, v9;
	v10 =	vmax.f32 v10, v14;
	v49 =	vperm.xlane v12, v4  }
0x9d: {  	v50 =	vsel vm14, $0xBF800000, v63;
	v9 =	vmax.f32 v10, v9;
	v11 =	vadd.f32 v11, v48  }
0x9e: {  	v51 =	vsel vm15, $0xBF800000, v36;
	v9 =	vmax.f32 v9, v50;
	v12 =	vadd.s32 v12, v49  }
0x9f: {  	v9 =	vmax.f32 v9, v51;
	v53 =	vperm.xlane v12, v5;
	v52 =	vperm.xlane v11, v6  }
0xa0: {  	v54 =	vperm.xlane v9, v4  }
0xa1: {  	v55 =	vadd.s32 v53, v12;
	v10 =	vadd.f32 v11, v52  }
0xa2: {  	v12 =	vperm.xlane v55, v6;
	v9 =	vmax.f32 v9, v54  }
0xa3: {  	v14 =	vperm.xlane v9, v5;
	v56 =	vperm.xlane v10, v7  }
0xa4: {  	v11 =	vadd.s32 v12, v55  }
0xa5: {  	v9 =	vmax.f32 v9, v14;
	v12 =	vperm.xlane v11, v7;
	v10 =	vadd.f32 v10, v56  }
0xa6: {  	v57 =	vperm.xlane v9, v6  }
0xa7: {  	v58 =	vadd.s32 v12, v11;
	(v2sf) =	vpush v10, $0x0  }
0xa8: {  	v9 =	vmax.f32 v9, v57;
	(v2sf) =	vpush v58, $0x0  }
0xa9: {  	v59 =	vperm.xlane v9, v7;
	_ =	sdelay $0x1  }
0xaa: {  	v9 =	vmax.f32 v9, v59  }
0xab: {  	(v2sf) =	vpush v9, $0x0;
	_ =	sdelay $0x9  }
0xac: {  	s16 =	spop (v2sf)  }
0xad: {  	s17 =	spop (v2sf)  }
0xae: {  	s17 =	scvt.s32.f32 s17;
	_ =	sdelay $0x1  }
0xaf: {  	s18 =	ssub.f32 s15, s17  }
0xb0: {  	s19 =	spop (v2sf)  }
0xb1: {  	p0 =	sgt.f32 s15, s17;
	s15 =	smul.f32 s19, s18  }
0xb2: {  	_ = 	snop  }
0xb3: {  	s15 =	simm.s32 @!p0 $0x0  }
0xb4: {  	s15 =	sadd.f32 s15, s16  }
0xb5: {  	v60 =	vbroadcast v8, $0x0  }
0xb6: {  	v61 =	vmov s15  }
0xb7: {  	v62 =	vbroadcast v8, $0x1;
	v9 =	vnsel vm1, $0x0, v60;
	v10 =	vnsel vm0, $0x0, v61  }
0xb8: {  	v9 =	vadd.f32 v10, v9  }
0xb9: {  	v8 =	vbroadcast v8, $0x2;
	v63 =	vnsel vm2, $0x0, v62  }
0xba: {  	v9 =	vadd.f32 v9, v63  }
0xbb: {  	v8 =	vnsel vm3, $0x0, v8  }
0xbc: {  	s14 =	sadd.s32 $0x1, s14;
	v8 =	vadd.f32 v9, v8  }
0xbd: {  	p0 =	sne.s32 s14, s7  }
.Ltmp3:
0xbe: {  	[tilespmem:$0x4580] =	vst v8;
	(pc) =	sbr.rel @p0 .LBB2_1-.Ltmp3, $4  }
0xbf: {  	[hbm4b:s6+s1] =	stream.linear.scatter [tilespmem:s13], [sflag:$0x1], $0x80, $0x38;
	[tilespmem:$0x4600] =	vst v63  }
0xc0: {  	_ =	swait.ge [sflag:s10], $0x80  }
0xc1: {  	[sflag:s10] =	ssyncset.done $0x0  }
0xc2: {  	[sflag:s10] =	ssyncadd.s32 $0xFFFFFF80  }
0xc3: {  	_ =	sfence.sel $0x180000  }
0xc4: {  	[bflag:$0x0] =	sbarrier.arrive $0xFFFF  }
0xc5: {  	p0 =	sne.s32 s0, $0x0;
	_ =	strace $0x90000047  }
0xc6: {  	s0 =	sadd.s32 @!p0 $0x100000, s2;
	[bflag:$0x2] =	sbarrier.arrive $0xFFFF  }
0xc7: {  	[sflag:s0] =	ssyncadd.tile.s32 @!p0 $0x1;
	_ =	shalt  }
.Lfunc_end2:
_tile_overlayer_lowered:
.L_overlay_start_2:
0xc8: {  	(tag) =	ssettag $0x2  }
0xc9: {  	s0 =	rddreg [dreg:$0x0];
	s2 =	stileid.u32  }
0xca: {  	s1 =	rddreg [dreg:$0x1];
	p0 =	sne.s32 s2, $0x0  }
0xcb: {  	s3 =	rddreg [dreg:$0x2];
	[bflag:$0x3] =	sbarrier.arrive $0xFFFF;
	s2 =	simm.s32 @!p0 $0x1C01  }
0xcc: {  	[timem:s3], [sflag:s2] =	dma.local @!p0 [hbm:s0], s1  }
0xcd: {  	s0 =	simm.s32 @!p0 $0x1  }
0xce: {  	_ =	swait.ge @!p0 [sflag:s0], s1  }
0xcf: {  	s1 =	ssub.s32 @!p0 $0x0, s1;
	[sflag:s0] =	ssyncset.done @!p0 $0x0  }
0xd0: {  	[sflag:s0] =	ssyncadd.s32 @!p0 s1  }
0xd1: {  	[bflag:$0x3] =	sbarrier.arrive $0xFFFF  }
0xd2: {  	_ =	shalt  }

</sc_bundles>
